<compile_context>
chip_gen: v7x
topology: tpu7x:2x2x1
jax: 0.10.2.dev20260603
libtpu: 0.0.44.dev20260713+nightly
codegen_flags: <defaults>
</compile_context>

<pallas_src>
import functools

import jax
import jax.numpy as jnp
from jax import lax
from jax.experimental import pallas as pl
from jax.experimental.pallas import tpu as pltpu
from jax.experimental.pallas import tpu_sc as plsc

_NC = 2
_NS = 16
_NW = _NC * _NS
_L = 16
_N_ACC = 4


def _make_sc_partials(B, H, W):
    HW = H * W
    assert B % (2 * _NW) == 0 and HW % (_L * _N_ACC) == 0
    bpw = B // _NW
    n_steps = HW // _L
    mesh = plsc.VectorSubcoreMesh(core_axis_name="c", subcore_axis_name="s")

    @functools.partial(
        pl.kernel,
        mesh=mesh,
        compiler_params=pltpu.CompilerParams(needs_layout_passes=False),
        out_type=[
            jax.ShapeDtypeStruct((_NW, _L), jnp.float32),
            jax.ShapeDtypeStruct((_NW, _L), jnp.float32),
        ],
        scratch_types=[
            pltpu.VMEM((HW,), jnp.float32),
            pltpu.VMEM((HW,), jnp.float32),
            pltpu.VMEM((HW,), jnp.float32),
            pltpu.VMEM((HW,), jnp.float32),
            pltpu.VMEM((HW,), jnp.float32),
            pltpu.VMEM((HW,), jnp.float32),
            pltpu.VMEM((HW,), jnp.float32),
            pltpu.VMEM((HW,), jnp.float32),
            pltpu.VMEM((HW,), jnp.float32),
            pltpu.VMEM((HW,), jnp.float32),
            pltpu.VMEM((_L,), jnp.float32),
            pltpu.VMEM((_L,), jnp.float32),
            pltpu.SemaphoreType.DMA,
            pltpu.SemaphoreType.DMA,
        ],
    )
    def sc_kernel(curr_hbm, mask_hbm, roi_hbm, loss_out, cnt_out,
                  y_v0, y_v1, x_v0, x_v1, t_v0, t_v1,
                  curr_v0, curr_v1, mask_v0, mask_v1,
                  loss_v, cnt_v, sem0, sem1):
        wid = lax.axis_index("s") * _NC + lax.axis_index("c")
        base = wid * bpw
        bufs = ((y_v0, x_v0, t_v0, curr_v0, mask_v0, sem0),
                (y_v1, x_v1, t_v1, curr_v1, mask_v1, sem1))

        def fire(b, k):
            y_v, x_v, t_v, curr_v, mask_v, sem = bufs[k]
            pltpu.make_async_copy(curr_hbm.at[b], curr_v, sem).start()
            pltpu.make_async_copy(mask_hbm.at[b], mask_v, sem).start()
            pltpu.make_async_copy(roi_hbm.at[0, b], y_v, sem).start()
            pltpu.make_async_copy(roi_hbm.at[1, b], x_v, sem).start()
            pltpu.make_async_copy(roi_hbm.at[2, b], t_v, sem).start()

        def drain(b, k):
            y_v, x_v, t_v, curr_v, mask_v, sem = bufs[k]
            pltpu.make_async_copy(curr_hbm.at[b], curr_v, sem).wait()
            pltpu.make_async_copy(mask_hbm.at[b], mask_v, sem).wait()
            pltpu.make_async_copy(roi_hbm.at[0, b], y_v, sem).wait()
            pltpu.make_async_copy(roi_hbm.at[1, b], x_v, sem).wait()
            pltpu.make_async_copy(roi_hbm.at[2, b], t_v, sem).wait()

        def compute(k, accs):
            y_v, x_v, t_v, curr_v, mask_v, _ = bufs[k]

            def one(j):
                sl = pl.ds(j * _L, _L)
                y = y_v[sl].astype(jnp.int32)
                x = x_v[sl].astype(jnp.int32)
                t = t_v[sl]
                valid = (lax.bitcast_convert_type(y, jnp.uint32) < H) & (
                    lax.bitcast_convert_type(x, jnp.uint32) < W)
                flat_u = lax.bitcast_convert_type(y * W + x, jnp.uint32)
                flat = lax.bitcast_convert_type(
                    jnp.minimum(flat_u, jnp.uint32(HW - 1)), jnp.int32)
                c = plsc.load_gather(curr_v, [flat])
                m = plsc.load_gather(mask_v, [flat])
                d = c - t
                ad = jnp.abs(d)
                loss = jnp.where(ad < 1.0, 0.5 * d * d, ad - 0.5)
                w = jnp.where(valid, m, 0.0)
                return loss * w, w

            def group(g, accs2):
                out = []
                for q in range(_N_ACC):
                    lacc, cacc = accs2[q]
                    lw, w = one(g * _N_ACC + q)
                    out.append((lacc + lw, cacc + w))
                return tuple(out)

            return lax.fori_loop(0, n_steps // _N_ACC, group, accs, unroll=2)

        fire(base, 0)

        def pair_body(ip, accs):
            for k in (0, 1):
                i = 2 * ip + k
                b = base + i

                @pl.when(i + 1 < bpw)
                def _():
                    fire(b + 1, 1 - k)

                drain(b, k)
                accs = compute(k, accs)
            return accs

        zero = jnp.zeros((_L,), jnp.float32)
        accs0 = tuple((zero, zero) for _ in range(_N_ACC))
        accs = lax.fori_loop(0, bpw // 2, pair_body, accs0)
        lacc = (accs[0][0] + accs[1][0]) + (accs[2][0] + accs[3][0])
        cacc = (accs[0][1] + accs[1][1]) + (accs[2][1] + accs[3][1])
        loss_v[...] = lacc
        cnt_v[...] = cacc
        pltpu.sync_copy(loss_v, loss_out.at[wid])
        pltpu.sync_copy(cnt_v, cnt_out.at[wid])

    return sc_kernel


def _finish(loss_ref, cnt_ref, out_ref):
    ls = jnp.sum(loss_ref[...])
    nv = jnp.sum(cnt_ref[...])
    out_ref[...] = (ls / (nv + 1e-6)).reshape(1, 1)


def kernel(curr_heightmap, new_roi, mask):
    B, _, H, W = curr_heightmap.shape
    HW = H * W
    curr2 = curr_heightmap.reshape(B, HW)
    mask2 = mask.reshape(B, HW)
    roi3 = jnp.transpose(new_roi, (1, 0, 2, 3)).reshape(3, B, HW)
    loss_p, cnt_p = _make_sc_partials(B, H, W)(curr2, mask2, roi3)
    out = pl.pallas_call(
        _finish,
        out_shape=jax.ShapeDtypeStruct((1, 1), jnp.float32),
    )(loss_p, cnt_p)
    return out[0, 0]

# --- scband reference (transcript-rebuilt; emitter-appended) ---
"""Pipeline reference for scband-custom-consistency-loss-10488310137062 (READ-ONLY COPY).

The authoritative reference and input builder live on the scoring server;
editing this copy changes nothing except your own understanding.
"""

import jax, jax.numpy as jnp
import numpy as np


def setup_inputs(seed: int = 0) -> dict:
    key = jax.random.key(seed)
    k1, k2, k3 = jax.random.split(key, 3)
    B, H, W = 1024, 200, 48
    curr_heightmap = jax.random.normal(k1, (B, 1, H, W), dtype=jnp.float32)
    new_roi = jax.random.normal(k2, (B, 3, H, W), dtype=jnp.float32)
    mask = jax.random.uniform(k3, (B, 1, H, W), dtype=jnp.float32)
    return {"curr_heightmap": curr_heightmap, "new_roi": new_roi, "mask": mask}


def _smooth_l1(pred, target):
    # nn.SmoothL1Loss(reduction='none') with default beta=1.0
    d = pred - target
    ad = jnp.abs(d)
    return jnp.where(ad < 1.0, 0.5 * d * d, ad - 0.5)


def reference(curr_heightmap, new_roi, mask):
    B, _, H, W = curr_heightmap.shape
    # torch .long() truncates toward zero; float->int astype in jnp does the same
    y_idx = new_roi[:, 0, :, :].astype(jnp.int32)
    x_idx = new_roi[:, 1, :, :].astype(jnp.int32)
    valid = ((y_idx >= 0) & (y_idx < H) & (x_idx >= 0) & (x_idx < W)).astype(curr_heightmap.dtype)
    # clamp so the gather is always in-bounds; invalid lanes are zeroed by `valid`
    yc = jnp.clip(y_idx, 0, H - 1)
    xc = jnp.clip(x_idx, 0, W - 1)
    b = jnp.broadcast_to(jnp.arange(B).reshape(B, 1, 1), (B, H, W))
    sampled_curr = curr_heightmap[b, 0, yc, xc]          # gather, shape (B, H, W)
    sampled_mask = mask[b, 0, yc, xc]                    # gather, shape (B, H, W)
    loss = _smooth_l1(sampled_curr, new_roi[:, 2, :, :])
    masked_loss = loss * sampled_mask * valid
    loss_sum = masked_loss.sum()
    num_valid = (sampled_mask * valid).sum()
    epsilon = 1e-06
    return loss_sum / (num_valid + epsilon)

if __name__ == "__main__":
    import jax
    _d = setup_inputs()
    print(jax.jit(kernel)(*tuple(_d.values())))

</pallas_src>

<mosaic_0001>
#map = affine_map<(d0, d1) -> (0, 0)>
#map1 = affine_map<(d0, d1) -> (0, 0, 0)>
module attributes {stable_mosaic.version = 14 : i64} {
  func.func @sc_kernel(%arg0: i32, %arg1: i32, %arg2: memref<1024x9600xf32, #tpu.memory_space<hbm>>, %arg3: memref<1024x9600xf32, #tpu.memory_space<hbm>>, %arg4: memref<3x1024x9600xf32, #tpu.memory_space<hbm>>, %arg5: memref<32x16xf32, #tpu.memory_space<hbm>>, %arg6: memref<32x16xf32, #tpu.memory_space<hbm>>, %arg7: memref<9600xf32, #tpu.memory_space<vmem>>, %arg8: memref<9600xf32, #tpu.memory_space<vmem>>, %arg9: memref<9600xf32, #tpu.memory_space<vmem>>, %arg10: memref<9600xf32, #tpu.memory_space<vmem>>, %arg11: memref<9600xf32, #tpu.memory_space<vmem>>, %arg12: memref<9600xf32, #tpu.memory_space<vmem>>, %arg13: memref<9600xf32, #tpu.memory_space<vmem>>, %arg14: memref<9600xf32, #tpu.memory_space<vmem>>, %arg15: memref<9600xf32, #tpu.memory_space<vmem>>, %arg16: memref<9600xf32, #tpu.memory_space<vmem>>, %arg17: memref<16xf32, #tpu.memory_space<vmem>>, %arg18: memref<16xf32, #tpu.memory_space<vmem>>, %arg19: memref<!tpu.dma_semaphore, #tpu.memory_space<semaphore_mem>>, %arg20: memref<!tpu.dma_semaphore, #tpu.memory_space<semaphore_mem>>) attributes {dimension_semantics = [#tpu.dimension_semantics<core_parallel>, #tpu.dimension_semantics<subcore_parallel>], iteration_bounds = array<i64: 2, 16>, scalar_prefetch = 0 : i64, scratch_operands = 14 : i64, tpu.core_type = #tpu.core_type<sc_vector_subcore>, window_params = [{transform_indices = #map}, {transform_indices = #map}, {transform_indices = #map1}, {transform_indices = #map}, {transform_indices = #map}]} {
    %mul3A = arith.constant 2 : i32
    %mul3A_0 = arith.muli %arg1, %mul3A : i32
    %add3A = arith.addi %mul3A_0, %arg0 : i32
    %mul3A_1 = arith.constant 32 : i32
    %mul3A_2 = arith.muli %add3A, %mul3A_1 : i32
    %dma_start3A = arith.constant 0 : i32
    %dma_start3A_3 = tpu.memref_slice %arg2[%mul3A_2, %dma_start3A] : memref<1024x9600xf32, #tpu.memory_space<hbm>> -> memref<1x9600xf32, #tpu.memory_space<hbm>>
    %dma_start3A_4 = tpu.memref_squeeze %dma_start3A_3 : memref<1x9600xf32, #tpu.memory_space<hbm>> -> memref<9600xf32, #tpu.memory_space<hbm>>
    %dma_start3A_5 = arith.constant 0 : i32
    %dma_start3A_6 = tpu.memref_slice %arg2[%mul3A_2, %dma_start3A_5] : memref<1024x9600xf32, #tpu.memory_space<hbm>> -> memref<1x9600xf32, #tpu.memory_space<hbm>>
    %dma_start3A_7 = tpu.memref_squeeze %dma_start3A_6 : memref<1x9600xf32, #tpu.memory_space<hbm>> -> memref<9600xf32, #tpu.memory_space<hbm>>
    tpu.enqueue_dma source(%dma_start3A_7 : memref<9600xf32, #tpu.memory_space<hbm>>) target(%arg13 : memref<9600xf32, #tpu.memory_space<vmem>>) target_semaphore(%arg19 : memref<!tpu.dma_semaphore, #tpu.memory_space<semaphore_mem>>)
    %dma_start3A_8 = arith.constant 0 : i32
    %dma_start3A_9 = tpu.memref_slice %arg3[%mul3A_2, %dma_start3A_8] : memref<1024x9600xf32, #tpu.memory_space<hbm>> -> memref<1x9600xf32, #tpu.memory_space<hbm>>
    %dma_start3A_10 = tpu.memref_squeeze %dma_start3A_9 : memref<1x9600xf32, #tpu.memory_space<hbm>> -> memref<9600xf32, #tpu.memory_space<hbm>>
    %dma_start3A_11 = arith.constant 0 : i32
    %dma_start3A_12 = tpu.memref_slice %arg3[%mul3A_2, %dma_start3A_11] : memref<1024x9600xf32, #tpu.memory_space<hbm>> -> memref<1x9600xf32, #tpu.memory_space<hbm>>
    %dma_start3A_13 = tpu.memref_squeeze %dma_start3A_12 : memref<1x9600xf32, #tpu.memory_space<hbm>> -> memref<9600xf32, #tpu.memory_space<hbm>>
    tpu.enqueue_dma source(%dma_start3A_13 : memref<9600xf32, #tpu.memory_space<hbm>>) target(%arg15 : memref<9600xf32, #tpu.memory_space<vmem>>) target_semaphore(%arg19 : memref<!tpu.dma_semaphore, #tpu.memory_space<semaphore_mem>>)
    %dma_start3A_14 = arith.constant 0 : i32
    %dma_start3A_15 = arith.constant 0 : i32
    %dma_start3A_16 = tpu.memref_slice %arg4[%dma_start3A_14, %mul3A_2, %dma_start3A_15] : memref<3x1024x9600xf32, #tpu.memory_space<hbm>> -> memref<1x1x9600xf32, #tpu.memory_space<hbm>>
    %dma_start3A_17 = tpu.memref_squeeze %dma_start3A_16 : memref<1x1x9600xf32, #tpu.memory_space<hbm>> -> memref<9600xf32, #tpu.memory_space<hbm>>
    %dma_start3A_18 = arith.constant 0 : i32
    %dma_start3A_19 = tpu.memref_slice %arg4[%dma_start3A_14, %mul3A_2, %dma_start3A_18] : memref<3x1024x9600xf32, #tpu.memory_space<hbm>> -> memref<1x1x9600xf32, #tpu.memory_space<hbm>>
    %dma_start3A_20 = tpu.memref_squeeze %dma_start3A_19 : memref<1x1x9600xf32, #tpu.memory_space<hbm>> -> memref<9600xf32, #tpu.memory_space<hbm>>
    tpu.enqueue_dma source(%dma_start3A_20 : memref<9600xf32, #tpu.memory_space<hbm>>) target(%arg7 : memref<9600xf32, #tpu.memory_space<vmem>>) target_semaphore(%arg19 : memref<!tpu.dma_semaphore, #tpu.memory_space<semaphore_mem>>)
    %dma_start3A_21 = arith.constant 1 : i32
    %dma_start3A_22 = arith.constant 0 : i32
    %dma_start3A_23 = tpu.memref_slice %arg4[%dma_start3A_21, %mul3A_2, %dma_start3A_22] : memref<3x1024x9600xf32, #tpu.memory_space<hbm>> -> memref<1x1x9600xf32, #tpu.memory_space<hbm>>
    %dma_start3A_24 = tpu.memref_squeeze %dma_start3A_23 : memref<1x1x9600xf32, #tpu.memory_space<hbm>> -> memref<9600xf32, #tpu.memory_space<hbm>>
    %dma_start3A_25 = arith.constant 0 : i32
    %dma_start3A_26 = tpu.memref_slice %arg4[%dma_start3A_21, %mul3A_2, %dma_start3A_25] : memref<3x1024x9600xf32, #tpu.memory_space<hbm>> -> memref<1x1x9600xf32, #tpu.memory_space<hbm>>
    %dma_start3A_27 = tpu.memref_squeeze %dma_start3A_26 : memref<1x1x9600xf32, #tpu.memory_space<hbm>> -> memref<9600xf32, #tpu.memory_space<hbm>>
    tpu.enqueue_dma source(%dma_start3A_27 : memref<9600xf32, #tpu.memory_space<hbm>>) target(%arg9 : memref<9600xf32, #tpu.memory_space<vmem>>) target_semaphore(%arg19 : memref<!tpu.dma_semaphore, #tpu.memory_space<semaphore_mem>>)
    %dma_start3A_28 = arith.constant 2 : i32
    %dma_start3A_29 = arith.constant 0 : i32
    %dma_start3A_30 = tpu.memref_slice %arg4[%dma_start3A_28, %mul3A_2, %dma_start3A_29] : memref<3x1024x9600xf32, #tpu.memory_space<hbm>> -> memref<1x1x9600xf32, #tpu.memory_space<hbm>>
    %dma_start3A_31 = tpu.memref_squeeze %dma_start3A_30 : memref<1x1x9600xf32, #tpu.memory_space<hbm>> -> memref<9600xf32, #tpu.memory_space<hbm>>
    %dma_start3A_32 = arith.constant 0 : i32
    %dma_start3A_33 = tpu.memref_slice %arg4[%dma_start3A_28, %mul3A_2, %dma_start3A_32] : memref<3x1024x9600xf32, #tpu.memory_space<hbm>> -> memref<1x1x9600xf32, #tpu.memory_space<hbm>>
    %dma_start3A_34 = tpu.memref_squeeze %dma_start3A_33 : memref<1x1x9600xf32, #tpu.memory_space<hbm>> -> memref<9600xf32, #tpu.memory_space<hbm>>
    tpu.enqueue_dma source(%dma_start3A_34 : memref<9600xf32, #tpu.memory_space<hbm>>) target(%arg11 : memref<9600xf32, #tpu.memory_space<vmem>>) target_semaphore(%arg19 : memref<!tpu.dma_semaphore, #tpu.memory_space<semaphore_mem>>)
    %broadcast_in_dim3A = arith.constant 0.000000e+00 : f32
    %broadcast_in_dim3A_35 = vector.broadcast %broadcast_in_dim3A : f32 to vector<16xf32>
    %scan3A = arith.constant 0 : i32
    %scan3A_36 = arith.constant 16 : i32
    %scan3A_37 = arith.addi %scan3A, %scan3A_36 : i32
    %scan3A_38 = arith.constant 1 : i32
    %scan3A_39:8 = scf.for %scan3A_50 = %scan3A to %scan3A_37 step %scan3A_38 iter_args(%scan3A_51 = %broadcast_in_dim3A_35, %scan3A_52 = %broadcast_in_dim3A_35, %scan3A_53 = %broadcast_in_dim3A_35, %scan3A_54 = %broadcast_in_dim3A_35, %scan3A_55 = %broadcast_in_dim3A_35, %scan3A_56 = %broadcast_in_dim3A_35, %scan3A_57 = %broadcast_in_dim3A_35, %scan3A_58 = %broadcast_in_dim3A_35) -> (vector<16xf32>, vector<16xf32>, vector<16xf32>, vector<16xf32>, vector<16xf32>, vector<16xf32>, vector<16xf32>, vector<16xf32>)  : i32 {
      %mul3A_59 = arith.constant 2 : i32
      %mul3A_60 = arith.muli %mul3A_59, %scan3A_50 : i32
      %add3A_61 = arith.constant 0 : i32
      %add3A_62 = arith.addi %mul3A_60, %add3A_61 : i32
      %add3A_63 = arith.addi %mul3A_2, %add3A_62 : i32
      %add3A_64 = arith.constant 1 : i32
      %add3A_65 = arith.addi %add3A_62, %add3A_64 : i32
      %lt3A = arith.constant 32 : i32
      %lt3A_66 = arith.cmpi slt, %add3A_65, %lt3A : i32
      %convert_element_type3A = arith.extui %lt3A_66 : i1 to i32
      %cond3A = arith.constant 0 : i32
      %cond3A_67 = arith.cmpi ne, %convert_element_type3A, %cond3A : i32
      scf.if %cond3A_67 {
        %add3A_157 = arith.constant 1 : i32
        %add3A_158 = arith.addi %add3A_63, %add3A_157 : i32
        %dma_start3A_159 = arith.constant 0 : i32
        %dma_start3A_160 = tpu.memref_slice %arg2[%add3A_158, %dma_start3A_159] : memref<1024x9600xf32, #tpu.memory_space<hbm>> -> memref<1x9600xf32, #tpu.memory_space<hbm>>
        %dma_start3A_161 = tpu.memref_squeeze %dma_start3A_160 : memref<1x9600xf32, #tpu.memory_space<hbm>> -> memref<9600xf32, #tpu.memory_space<hbm>>
        %dma_start3A_162 = arith.constant 0 : i32
        %dma_start3A_163 = tpu.memref_slice %arg2[%add3A_158, %dma_start3A_162] : memref<1024x9600xf32, #tpu.memory_space<hbm>> -> memref<1x9600xf32, #tpu.memory_space<hbm>>
        %dma_start3A_164 = tpu.memref_squeeze %dma_start3A_163 : memref<1x9600xf32, #tpu.memory_space<hbm>> -> memref<9600xf32, #tpu.memory_space<hbm>>
        tpu.enqueue_dma source(%dma_start3A_164 : memref<9600xf32, #tpu.memory_space<hbm>>) target(%arg14 : memref<9600xf32, #tpu.memory_space<vmem>>) target_semaphore(%arg20 : memref<!tpu.dma_semaphore, #tpu.memory_space<semaphore_mem>>)
        %dma_start3A_165 = arith.constant 0 : i32
        %dma_start3A_166 = tpu.memref_slice %arg3[%add3A_158, %dma_start3A_165] : memref<1024x9600xf32, #tpu.memory_space<hbm>> -> memref<1x9600xf32, #tpu.memory_space<hbm>>
        %dma_start3A_167 = tpu.memref_squeeze %dma_start3A_166 : memref<1x9600xf32, #tpu.memory_space<hbm>> -> memref<9600xf32, #tpu.memory_space<hbm>>
        %dma_start3A_168 = arith.constant 0 : i32
        %dma_start3A_169 = tpu.memref_slice %arg3[%add3A_158, %dma_start3A_168] : memref<1024x9600xf32, #tpu.memory_space<hbm>> -> memref<1x9600xf32, #tpu.memory_space<hbm>>
        %dma_start3A_170 = tpu.memref_squeeze %dma_start3A_169 : memref<1x9600xf32, #tpu.memory_space<hbm>> -> memref<9600xf32, #tpu.memory_space<hbm>>
        tpu.enqueue_dma source(%dma_start3A_170 : memref<9600xf32, #tpu.memory_space<hbm>>) target(%arg16 : memref<9600xf32, #tpu.memory_space<vmem>>) target_semaphore(%arg20 : memref<!tpu.dma_semaphore, #tpu.memory_space<semaphore_mem>>)
        %dma_start3A_171 = arith.constant 0 : i32
        %dma_start3A_172 = arith.constant 0 : i32
        %dma_start3A_173 = tpu.memref_slice %arg4[%dma_start3A_171, %add3A_158, %dma_start3A_172] : memref<3x1024x9600xf32, #tpu.memory_space<hbm>> -> memref<1x1x9600xf32, #tpu.memory_space<hbm>>
        %dma_start3A_174 = tpu.memref_squeeze %dma_start3A_173 : memref<1x1x9600xf32, #tpu.memory_space<hbm>> -> memref<9600xf32, #tpu.memory_space<hbm>>
        %dma_start3A_175 = arith.constant 0 : i32
        %dma_start3A_176 = tpu.memref_slice %arg4[%dma_start3A_171, %add3A_158, %dma_start3A_175] : memref<3x1024x9600xf32, #tpu.memory_space<hbm>> -> memref<1x1x9600xf32, #tpu.memory_space<hbm>>
        %dma_start3A_177 = tpu.memref_squeeze %dma_start3A_176 : memref<1x1x9600xf32, #tpu.memory_space<hbm>> -> memref<9600xf32, #tpu.memory_space<hbm>>
        tpu.enqueue_dma source(%dma_start3A_177 : memref<9600xf32, #tpu.memory_space<hbm>>) target(%arg8 : memref<9600xf32, #tpu.memory_space<vmem>>) target_semaphore(%arg20 : memref<!tpu.dma_semaphore, #tpu.memory_space<semaphore_mem>>)
        %dma_start3A_178 = arith.constant 1 : i32
        %dma_start3A_179 = arith.constant 0 : i32
        %dma_start3A_180 = tpu.memref_slice %arg4[%dma_start3A_178, %add3A_158, %dma_start3A_179] : memref<3x1024x9600xf32, #tpu.memory_space<hbm>> -> memref<1x1x9600xf32, #tpu.memory_space<hbm>>
        %dma_start3A_181 = tpu.memref_squeeze %dma_start3A_180 : memref<1x1x9600xf32, #tpu.memory_space<hbm>> -> memref<9600xf32, #tpu.memory_space<hbm>>
        %dma_start3A_182 = arith.constant 0 : i32
        %dma_start3A_183 = tpu.memref_slice %arg4[%dma_start3A_178, %add3A_158, %dma_start3A_182] : memref<3x1024x9600xf32, #tpu.memory_space<hbm>> -> memref<1x1x9600xf32, #tpu.memory_space<hbm>>
        %dma_start3A_184 = tpu.memref_squeeze %dma_start3A_183 : memref<1x1x9600xf32, #tpu.memory_space<hbm>> -> memref<9600xf32, #tpu.memory_space<hbm>>
        tpu.enqueue_dma source(%dma_start3A_184 : memref<9600xf32, #tpu.memory_space<hbm>>) target(%arg10 : memref<9600xf32, #tpu.memory_space<vmem>>) target_semaphore(%arg20 : memref<!tpu.dma_semaphore, #tpu.memory_space<semaphore_mem>>)
        %dma_start3A_185 = arith.constant 2 : i32
        %dma_start3A_186 = arith.constant 0 : i32
        %dma_start3A_187 = tpu.memref_slice %arg4[%dma_start3A_185, %add3A_158, %dma_start3A_186] : memref<3x1024x9600xf32, #tpu.memory_space<hbm>> -> memref<1x1x9600xf32, #tpu.memory_space<hbm>>
        %dma_start3A_188 = tpu.memref_squeeze %dma_start3A_187 : memref<1x1x9600xf32, #tpu.memory_space<hbm>> -> memref<9600xf32, #tpu.memory_space<hbm>>
        %dma_start3A_189 = arith.constant 0 : i32
        %dma_start3A_190 = tpu.memref_slice %arg4[%dma_start3A_185, %add3A_158, %dma_start3A_189] : memref<3x1024x9600xf32, #tpu.memory_space<hbm>> -> memref<1x1x9600xf32, #tpu.memory_space<hbm>>
        %dma_start3A_191 = tpu.memref_squeeze %dma_start3A_190 : memref<1x1x9600xf32, #tpu.memory_space<hbm>> -> memref<9600xf32, #tpu.memory_space<hbm>>
        tpu.enqueue_dma source(%dma_start3A_191 : memref<9600xf32, #tpu.memory_space<hbm>>) target(%arg12 : memref<9600xf32, #tpu.memory_space<vmem>>) target_semaphore(%arg20 : memref<!tpu.dma_semaphore, #tpu.memory_space<semaphore_mem>>)
      } else {
      }
      %dma_wait3A = arith.constant 0 : i32
      %dma_wait3A_68 = tpu.memref_slice %arg2[%add3A_63, %dma_wait3A] : memref<1024x9600xf32, #tpu.memory_space<hbm>> -> memref<1x9600xf32, #tpu.memory_space<hbm>>
      %dma_wait3A_69 = tpu.memref_squeeze %dma_wait3A_68 : memref<1x9600xf32, #tpu.memory_space<hbm>> -> memref<9600xf32, #tpu.memory_space<hbm>>
      %dma_wait3A_70 = arith.constant 0 : i32
      %dma_wait3A_71 = tpu.memref_slice %arg2[%add3A_63, %dma_wait3A_70] : memref<1024x9600xf32, #tpu.memory_space<hbm>> -> memref<1x9600xf32, #tpu.memory_space<hbm>>
      %dma_wait3A_72 = tpu.memref_squeeze %dma_wait3A_71 : memref<1x9600xf32, #tpu.memory_space<hbm>> -> memref<9600xf32, #tpu.memory_space<hbm>>
      tpu.wait_dma2 semaphore(%arg19 : memref<!tpu.dma_semaphore, #tpu.memory_space<semaphore_mem>>) src(%dma_wait3A_72 : memref<9600xf32, #tpu.memory_space<hbm>>) dst(%arg13 : memref<9600xf32, #tpu.memory_space<vmem>>)
      %dma_wait3A_73 = arith.constant 0 : i32
      %dma_wait3A_74 = tpu.memref_slice %arg3[%add3A_63, %dma_wait3A_73] : memref<1024x9600xf32, #tpu.memory_space<hbm>> -> memref<1x9600xf32, #tpu.memory_space<hbm>>
      %dma_wait3A_75 = tpu.memref_squeeze %dma_wait3A_74 : memref<1x9600xf32, #tpu.memory_space<hbm>> -> memref<9600xf32, #tpu.memory_space<hbm>>
      %dma_wait3A_76 = arith.constant 0 : i32
      %dma_wait3A_77 = tpu.memref_slice %arg3[%add3A_63, %dma_wait3A_76] : memref<1024x9600xf32, #tpu.memory_space<hbm>> -> memref<1x9600xf32, #tpu.memory_space<hbm>>
      %dma_wait3A_78 = tpu.memref_squeeze %dma_wait3A_77 : memref<1x9600xf32, #tpu.memory_space<hbm>> -> memref<9600xf32, #tpu.memory_space<hbm>>
      tpu.wait_dma2 semaphore(%arg19 : memref<!tpu.dma_semaphore, #tpu.memory_space<semaphore_mem>>) src(%dma_wait3A_78 : memref<9600xf32, #tpu.memory_space<hbm>>) dst(%arg15 : memref<9600xf32, #tpu.memory_space<vmem>>)
      %dma_wait3A_79 = arith.constant 0 : i32
      %dma_wait3A_80 = arith.constant 0 : i32
      %dma_wait3A_81 = tpu.memref_slice %arg4[%dma_wait3A_79, %add3A_63, %dma_wait3A_80] : memref<3x1024x9600xf32, #tpu.memory_space<hbm>> -> memref<1x1x9600xf32, #tpu.memory_space<hbm>>
      %dma_wait3A_82 = tpu.memref_squeeze %dma_wait3A_81 : memref<1x1x9600xf32, #tpu.memory_space<hbm>> -> memref<9600xf32, #tpu.memory_space<hbm>>
      %dma_wait3A_83 = arith.constant 0 : i32
      %dma_wait3A_84 = tpu.memref_slice %arg4[%dma_wait3A_79, %add3A_63, %dma_wait3A_83] : memref<3x1024x9600xf32, #tpu.memory_space<hbm>> -> memref<1x1x9600xf32, #tpu.memory_space<hbm>>
      %dma_wait3A_85 = tpu.memref_squeeze %dma_wait3A_84 : memref<1x1x9600xf32, #tpu.memory_space<hbm>> -> memref<9600xf32, #tpu.memory_space<hbm>>
      tpu.wait_dma2 semaphore(%arg19 : memref<!tpu.dma_semaphore, #tpu.memory_space<semaphore_mem>>) src(%dma_wait3A_85 : memref<9600xf32, #tpu.memory_space<hbm>>) dst(%arg7 : memref<9600xf32, #tpu.memory_space<vmem>>)
      %dma_wait3A_86 = arith.constant 1 : i32
      %dma_wait3A_87 = arith.constant 0 : i32
      %dma_wait3A_88 = tpu.memref_slice %arg4[%dma_wait3A_86, %add3A_63, %dma_wait3A_87] : memref<3x1024x9600xf32, #tpu.memory_space<hbm>> -> memref<1x1x9600xf32, #tpu.memory_space<hbm>>
      %dma_wait3A_89 = tpu.memref_squeeze %dma_wait3A_88 : memref<1x1x9600xf32, #tpu.memory_space<hbm>> -> memref<9600xf32, #tpu.memory_space<hbm>>
      %dma_wait3A_90 = arith.constant 0 : i32
      %dma_wait3A_91 = tpu.memref_slice %arg4[%dma_wait3A_86, %add3A_63, %dma_wait3A_90] : memref<3x1024x9600xf32, #tpu.memory_space<hbm>> -> memref<1x1x9600xf32, #tpu.memory_space<hbm>>
      %dma_wait3A_92 = tpu.memref_squeeze %dma_wait3A_91 : memref<1x1x9600xf32, #tpu.memory_space<hbm>> -> memref<9600xf32, #tpu.memory_space<hbm>>
      tpu.wait_dma2 semaphore(%arg19 : memref<!tpu.dma_semaphore, #tpu.memory_space<semaphore_mem>>) src(%dma_wait3A_92 : memref<9600xf32, #tpu.memory_space<hbm>>) dst(%arg9 : memref<9600xf32, #tpu.memory_space<vmem>>)
      %dma_wait3A_93 = arith.constant 2 : i32
      %dma_wait3A_94 = arith.constant 0 : i32
      %dma_wait3A_95 = tpu.memref_slice %arg4[%dma_wait3A_93, %add3A_63, %dma_wait3A_94] : memref<3x1024x9600xf32, #tpu.memory_space<hbm>> -> memref<1x1x9600xf32, #tpu.memory_space<hbm>>
      %dma_wait3A_96 = tpu.memref_squeeze %dma_wait3A_95 : memref<1x1x9600xf32, #tpu.memory_space<hbm>> -> memref<9600xf32, #tpu.memory_space<hbm>>
      %dma_wait3A_97 = arith.constant 0 : i32
      %dma_wait3A_98 = tpu.memref_slice %arg4[%dma_wait3A_93, %add3A_63, %dma_wait3A_97] : memref<3x1024x9600xf32, #tpu.memory_space<hbm>> -> memref<1x1x9600xf32, #tpu.memory_space<hbm>>
      %dma_wait3A_99 = tpu.memref_squeeze %dma_wait3A_98 : memref<1x1x9600xf32, #tpu.memory_space<hbm>> -> memref<9600xf32, #tpu.memory_space<hbm>>
      tpu.wait_dma2 semaphore(%arg19 : memref<!tpu.dma_semaphore, #tpu.memory_space<semaphore_mem>>) src(%dma_wait3A_99 : memref<9600xf32, #tpu.memory_space<hbm>>) dst(%arg11 : memref<9600xf32, #tpu.memory_space<vmem>>)
      %scan3A_100 = arith.constant 0 : i32
      %scan3A_101 = arith.constant 150 : i32
      %scan3A_102 = arith.addi %scan3A_100, %scan3A_101 : i32
      %scan3A_103 = arith.constant 2 : i32
      %scan3A_104:8 = scf.for %scan3A_157 = %scan3A_100 to %scan3A_102 step %scan3A_103 iter_args(%scan3A_158 = %scan3A_51, %scan3A_159 = %scan3A_52, %scan3A_160 = %scan3A_53, %scan3A_161 = %scan3A_54, %scan3A_162 = %scan3A_55, %scan3A_163 = %scan3A_56, %scan3A_164 = %scan3A_57, %scan3A_165 = %scan3A_58) -> (vector<16xf32>, vector<16xf32>, vector<16xf32>, vector<16xf32>, vector<16xf32>, vector<16xf32>, vector<16xf32>, vector<16xf32>)  : i32 {
        %mul3A_166 = arith.constant 4 : i32
        %mul3A_167 = arith.muli %scan3A_157, %mul3A_166 : i32
        %add3A_168 = arith.constant 0 : i32
        %add3A_169 = arith.addi %mul3A_167, %add3A_168 : i32
        %mul3A_170 = arith.constant 16 : i32
        %mul3A_171 = arith.muli %add3A_169, %mul3A_170 : i32
        %get3A = arith.index_cast %mul3A_171 : i32 to index
        %get3A_172 = tpu.vector_load %arg7[%get3A] {strides = array<i32>} : memref<9600xf32, #tpu.memory_space<vmem>>, vector<16xf32>,
        %convert_element_type3A_173 = arith.fptosi %get3A_172 : vector<16xf32> to vector<16xi32>
        %get3A_174 = arith.index_cast %mul3A_171 : i32 to index
        %get3A_175 = tpu.vector_load %arg9[%get3A_174] {strides = array<i32>} : memref<9600xf32, #tpu.memory_space<vmem>>, vector<16xf32>,
        %convert_element_type3A_176 = arith.fptosi %get3A_175 : vector<16xf32> to vector<16xi32>
        %get3A_177 = arith.index_cast %mul3A_171 : i32 to index
        %get3A_178 = tpu.vector_load %arg11[%get3A_177] {strides = array<i32>} : memref<9600xf32, #tpu.memory_space<vmem>>, vector<16xf32>,
        %bitcast_convert_type3A = tpu.bitcast %convert_element_type3A_173 : vector<16xi32> -> vector<16xi32>
        %lt3A_179 = arith.constant 200 : i32
        %lt3A_180 = vector.broadcast %lt3A_179 : i32 to vector<16xi32>
        %lt3A_181 = arith.cmpi ult, %bitcast_convert_type3A, %lt3A_180 : vector<16xi32>
        %bitcast_convert_type3A_182 = tpu.bitcast %convert_element_type3A_176 : vector<16xi32> -> vector<16xi32>
        %lt3A_183 = arith.constant 48 : i32
        %lt3A_184 = vector.broadcast %lt3A_183 : i32 to vector<16xi32>
        %lt3A_185 = arith.cmpi ult, %bitcast_convert_type3A_182, %lt3A_184 : vector<16xi32>
        %and3A = arith.andi %lt3A_181, %lt3A_185 : vector<16xi1>
        %mul3A_186 = arith.constant 48 : i32
        %mul3A_187 = vector.broadcast %mul3A_186 : i32 to vector<16xi32>
        %mul3A_188 = arith.muli %convert_element_type3A_173, %mul3A_187 : vector<16xi32>
        %add3A_189 = arith.addi %mul3A_188, %convert_element_type3A_176 : vector<16xi32>
        %bitcast_convert_type3A_190 = tpu.bitcast %add3A_189 : vector<16xi32> -> vector<16xi32>
        %min3A = arith.constant 9599 : i32
        %min3A_191 = vector.broadcast %min3A : i32 to vector<16xi32>
        %min3A_192 = arith.minui %bitcast_convert_type3A_190, %min3A_191 : vector<16xi32>
        %bitcast_convert_type3A_193 = tpu.bitcast %min3A_192 : vector<16xi32> -> vector<16xi32>
        %gather3A = tpu.vector_load_idx %arg13[%bitcast_convert_type3A_193] : memref<9600xf32, #tpu.memory_space<vmem>>[vector<16xi32>], vector<16xf32>,
        %gather3A_194 = tpu.vector_load_idx %arg15[%bitcast_convert_type3A_193] : memref<9600xf32, #tpu.memory_space<vmem>>[vector<16xi32>], vector<16xf32>,
        %sub3A = arith.subf %gather3A, %get3A_178 : vector<16xf32>
        %abs3A = math.absf %sub3A : vector<16xf32>
        %lt3A_195 = arith.constant 1.000000e+00 : f32
        %lt3A_196 = vector.broadcast %lt3A_195 : f32 to vector<16xf32>
        %lt3A_197 = arith.cmpf olt, %abs3A, %lt3A_196 : vector<16xf32>
        %mul3A_198 = arith.constant 5.000000e-01 : f32
        %mul3A_199 = vector.broadcast %mul3A_198 : f32 to vector<16xf32>
        %mul3A_200 = arith.mulf %mul3A_199, %sub3A : vector<16xf32>
        %mul3A_201 = arith.mulf %mul3A_200, %sub3A : vector<16xf32>
        %sub3A_202 = arith.constant 5.000000e-01 : f32
        %sub3A_203 = vector.broadcast %sub3A_202 : f32 to vector<16xf32>
        %sub3A_204 = arith.subf %abs3A, %sub3A_203 : vector<16xf32>
        %select_n3A = arith.select %lt3A_197, %mul3A_201, %sub3A_204 : vector<16xi1>, vector<16xf32>
        %jit3A = arith.constant 0.000000e+00 : f32
        %broadcast_in_dim3A_205 = vector.broadcast %jit3A : f32 to vector<16xf32>
        %select_n3A_206 = arith.select %and3A, %gather3A_194, %broadcast_in_dim3A_205 : vector<16xi1>, vector<16xf32>
        %mul3A_207 = arith.mulf %select_n3A, %select_n3A_206 : vector<16xf32>
        %add3A_208 = arith.addf %scan3A_158, %mul3A_207 : vector<16xf32>
        %add3A_209 = arith.addf %scan3A_159, %select_n3A_206 : vector<16xf32>
        %mul3A_210 = arith.constant 4 : i32
        %mul3A_211 = arith.muli %scan3A_157, %mul3A_210 : i32
        %add3A_212 = arith.constant 1 : i32
        %add3A_213 = arith.addi %mul3A_211, %add3A_212 : i32
        %mul3A_214 = arith.constant 16 : i32
        %mul3A_215 = arith.muli %add3A_213, %mul3A_214 : i32
        %get3A_216 = arith.index_cast %mul3A_215 : i32 to index
        %get3A_217 = tpu.vector_load %arg7[%get3A_216] {strides = array<i32>} : memref<9600xf32, #tpu.memory_space<vmem>>, vector<16xf32>,
        %convert_element_type3A_218 = arith.fptosi %get3A_217 : vector<16xf32> to vector<16xi32>
        %get3A_219 = arith.index_cast %mul3A_215 : i32 to index
        %get3A_220 = tpu.vector_load %arg9[%get3A_219] {strides = array<i32>} : memref<9600xf32, #tpu.memory_space<vmem>>, vector<16xf32>,
        %convert_element_type3A_221 = arith.fptosi %get3A_220 : vector<16xf32> to vector<16xi32>
        %get3A_222 = arith.index_cast %mul3A_215 : i32 to index
        %get3A_223 = tpu.vector_load %arg11[%get3A_222] {strides = array<i32>} : memref<9600xf32, #tpu.memory_space<vmem>>, vector<16xf32>,
        %bitcast_convert_type3A_224 = tpu.bitcast %convert_element_type3A_218 : vector<16xi32> -> vector<16xi32>
        %lt3A_225 = arith.constant 200 : i32
        %lt3A_226 = vector.broadcast %lt3A_225 : i32 to vector<16xi32>
        %lt3A_227 = arith.cmpi ult, %bitcast_convert_type3A_224, %lt3A_226 : vector<16xi32>
        %bitcast_convert_type3A_228 = tpu.bitcast %convert_element_type3A_221 : vector<16xi32> -> vector<16xi32>
        %lt3A_229 = arith.constant 48 : i32
        %lt3A_230 = vector.broadcast %lt3A_229 : i32 to vector<16xi32>
        %lt3A_231 = arith.cmpi ult, %bitcast_convert_type3A_228, %lt3A_230 : vector<16xi32>
        %and3A_232 = arith.andi %lt3A_227, %lt3A_231 : vector<16xi1>
        %mul3A_233 = arith.constant 48 : i32
        %mul3A_234 = vector.broadcast %mul3A_233 : i32 to vector<16xi32>
        %mul3A_235 = arith.muli %convert_element_type3A_218, %mul3A_234 : vector<16xi32>
        %add3A_236 = arith.addi %mul3A_235, %convert_element_type3A_221 : vector<16xi32>
        %bitcast_convert_type3A_237 = tpu.bitcast %add3A_236 : vector<16xi32> -> vector<16xi32>
        %min3A_238 = arith.constant 9599 : i32
        %min3A_239 = vector.broadcast %min3A_238 : i32 to vector<16xi32>
        %min3A_240 = arith.minui %bitcast_convert_type3A_237, %min3A_239 : vector<16xi32>
        %bitcast_convert_type3A_241 = tpu.bitcast %min3A_240 : vector<16xi32> -> vector<16xi32>
        %gather3A_242 = tpu.vector_load_idx %arg13[%bitcast_convert_type3A_241] : memref<9600xf32, #tpu.memory_space<vmem>>[vector<16xi32>], vector<16xf32>,
        %gather3A_243 = tpu.vector_load_idx %arg15[%bitcast_convert_type3A_241] : memref<9600xf32, #tpu.memory_space<vmem>>[vector<16xi32>], vector<16xf32>,
        %sub3A_244 = arith.subf %gather3A_242, %get3A_223 : vector<16xf32>
        %abs3A_245 = math.absf %sub3A_244 : vector<16xf32>
        %lt3A_246 = arith.constant 1.000000e+00 : f32
        %lt3A_247 = vector.broadcast %lt3A_246 : f32 to vector<16xf32>
        %lt3A_248 = arith.cmpf olt, %abs3A_245, %lt3A_247 : vector<16xf32>
        %mul3A_249 = arith.constant 5.000000e-01 : f32
        %mul3A_250 = vector.broadcast %mul3A_249 : f32 to vector<16xf32>
        %mul3A_251 = arith.mulf %mul3A_250, %sub3A_244 : vector<16xf32>
        %mul3A_252 = arith.mulf %mul3A_251, %sub3A_244 : vector<16xf32>
        %sub3A_253 = arith.constant 5.000000e-01 : f32
        %sub3A_254 = vector.broadcast %sub3A_253 : f32 to vector<16xf32>
        %sub3A_255 = arith.subf %abs3A_245, %sub3A_254 : vector<16xf32>
        %select_n3A_256 = arith.select %lt3A_248, %mul3A_252, %sub3A_255 : vector<16xi1>, vector<16xf32>
        %jit3A_257 = arith.constant 0.000000e+00 : f32
        %broadcast_in_dim3A_258 = vector.broadcast %jit3A_257 : f32 to vector<16xf32>
        %select_n3A_259 = arith.select %and3A_232, %gather3A_243, %broadcast_in_dim3A_258 : vector<16xi1>, vector<16xf32>
        %mul3A_260 = arith.mulf %select_n3A_256, %select_n3A_259 : vector<16xf32>
        %add3A_261 = arith.addf %scan3A_160, %mul3A_260 : vector<16xf32>
        %add3A_262 = arith.addf %scan3A_161, %select_n3A_259 : vector<16xf32>
        %mul3A_263 = arith.constant 4 : i32
        %mul3A_264 = arith.muli %scan3A_157, %mul3A_263 : i32
        %add3A_265 = arith.constant 2 : i32
        %add3A_266 = arith.addi %mul3A_264, %add3A_265 : i32
        %mul3A_267 = arith.constant 16 : i32
        %mul3A_268 = arith.muli %add3A_266, %mul3A_267 : i32
        %get3A_269 = arith.index_cast %mul3A_268 : i32 to index
        %get3A_270 = tpu.vector_load %arg7[%get3A_269] {strides = array<i32>} : memref<9600xf32, #tpu.memory_space<vmem>>, vector<16xf32>,
        %convert_element_type3A_271 = arith.fptosi %get3A_270 : vector<16xf32> to vector<16xi32>
        %get3A_272 = arith.index_cast %mul3A_268 : i32 to index
        %get3A_273 = tpu.vector_load %arg9[%get3A_272] {strides = array<i32>} : memref<9600xf32, #tpu.memory_space<vmem>>, vector<16xf32>,
        %convert_element_type3A_274 = arith.fptosi %get3A_273 : vector<16xf32> to vector<16xi32>
        %get3A_275 = arith.index_cast %mul3A_268 : i32 to index
        %get3A_276 = tpu.vector_load %arg11[%get3A_275] {strides = array<i32>} : memref<9600xf32, #tpu.memory_space<vmem>>, vector<16xf32>,
        %bitcast_convert_type3A_277 = tpu.bitcast %convert_element_type3A_271 : vector<16xi32> -> vector<16xi32>
        %lt3A_278 = arith.constant 200 : i32
        %lt3A_279 = vector.broadcast %lt3A_278 : i32 to vector<16xi32>
        %lt3A_280 = arith.cmpi ult, %bitcast_convert_type3A_277, %lt3A_279 : vector<16xi32>
        %bitcast_convert_type3A_281 = tpu.bitcast %convert_element_type3A_274 : vector<16xi32> -> vector<16xi32>
        %lt3A_282 = arith.constant 48 : i32
        %lt3A_283 = vector.broadcast %lt3A_282 : i32 to vector<16xi32>
        %lt3A_284 = arith.cmpi ult, %bitcast_convert_type3A_281, %lt3A_283 : vector<16xi32>
        %and3A_285 = arith.andi %lt3A_280, %lt3A_284 : vector<16xi1>
        %mul3A_286 = arith.constant 48 : i32
        %mul3A_287 = vector.broadcast %mul3A_286 : i32 to vector<16xi32>
        %mul3A_288 = arith.muli %convert_element_type3A_271, %mul3A_287 : vector<16xi32>
        %add3A_289 = arith.addi %mul3A_288, %convert_element_type3A_274 : vector<16xi32>
        %bitcast_convert_type3A_290 = tpu.bitcast %add3A_289 : vector<16xi32> -> vector<16xi32>
        %min3A_291 = arith.constant 9599 : i32
        %min3A_292 = vector.broadcast %min3A_291 : i32 to vector<16xi32>
        %min3A_293 = arith.minui %bitcast_convert_type3A_290, %min3A_292 : vector<16xi32>
        %bitcast_convert_type3A_294 = tpu.bitcast %min3A_293 : vector<16xi32> -> vector<16xi32>
        %gather3A_295 = tpu.vector_load_idx %arg13[%bitcast_convert_type3A_294] : memref<9600xf32, #tpu.memory_space<vmem>>[vector<16xi32>], vector<16xf32>,
        %gather3A_296 = tpu.vector_load_idx %arg15[%bitcast_convert_type3A_294] : memref<9600xf32, #tpu.memory_space<vmem>>[vector<16xi32>], vector<16xf32>,
        %sub3A_297 = arith.subf %gather3A_295, %get3A_276 : vector<16xf32>
        %abs3A_298 = math.absf %sub3A_297 : vector<16xf32>
        %lt3A_299 = arith.constant 1.000000e+00 : f32
        %lt3A_300 = vector.broadcast %lt3A_299 : f32 to vector<16xf32>
        %lt3A_301 = arith.cmpf olt, %abs3A_298, %lt3A_300 : vector<16xf32>
        %mul3A_302 = arith.constant 5.000000e-01 : f32
        %mul3A_303 = vector.broadcast %mul3A_302 : f32 to vector<16xf32>
        %mul3A_304 = arith.mulf %mul3A_303, %sub3A_297 : vector<16xf32>
        %mul3A_305 = arith.mulf %mul3A_304, %sub3A_297 : vector<16xf32>
        %sub3A_306 = arith.constant 5.000000e-01 : f32
        %sub3A_307 = vector.broadcast %sub3A_306 : f32 to vector<16xf32>
        %sub3A_308 = arith.subf %abs3A_298, %sub3A_307 : vector<16xf32>
        %select_n3A_309 = arith.select %lt3A_301, %mul3A_305, %sub3A_308 : vector<16xi1>, vector<16xf32>
        %jit3A_310 = arith.constant 0.000000e+00 : f32
        %broadcast_in_dim3A_311 = vector.broadcast %jit3A_310 : f32 to vector<16xf32>
        %select_n3A_312 = arith.select %and3A_285, %gather3A_296, %broadcast_in_dim3A_311 : vector<16xi1>, vector<16xf32>
        %mul3A_313 = arith.mulf %select_n3A_309, %select_n3A_312 : vector<16xf32>
        %add3A_314 = arith.addf %scan3A_162, %mul3A_313 : vector<16xf32>
        %add3A_315 = arith.addf %scan3A_163, %select_n3A_312 : vector<16xf32>
        %mul3A_316 = arith.constant 4 : i32
        %mul3A_317 = arith.muli %scan3A_157, %mul3A_316 : i32
        %add3A_318 = arith.constant 3 : i32
        %add3A_319 = arith.addi %mul3A_317, %add3A_318 : i32
        %mul3A_320 = arith.constant 16 : i32
        %mul3A_321 = arith.muli %add3A_319, %mul3A_320 : i32
        %get3A_322 = arith.index_cast %mul3A_321 : i32 to index
        %get3A_323 = tpu.vector_load %arg7[%get3A_322] {strides = array<i32>} : memref<9600xf32, #tpu.memory_space<vmem>>, vector<16xf32>,
        %convert_element_type3A_324 = arith.fptosi %get3A_323 : vector<16xf32> to vector<16xi32>
        %get3A_325 = arith.index_cast %mul3A_321 : i32 to index
        %get3A_326 = tpu.vector_load %arg9[%get3A_325] {strides = array<i32>} : memref<9600xf32, #tpu.memory_space<vmem>>, vector<16xf32>,
        %convert_element_type3A_327 = arith.fptosi %get3A_326 : vector<16xf32> to vector<16xi32>
        %get3A_328 = arith.index_cast %mul3A_321 : i32 to index
        %get3A_329 = tpu.vector_load %arg11[%get3A_328] {strides = array<i32>} : memref<9600xf32, #tpu.memory_space<vmem>>, vector<16xf32>,
        %bitcast_convert_type3A_330 = tpu.bitcast %convert_element_type3A_324 : vector<16xi32> -> vector<16xi32>
        %lt3A_331 = arith.constant 200 : i32
        %lt3A_332 = vector.broadcast %lt3A_331 : i32 to vector<16xi32>
        %lt3A_333 = arith.cmpi ult, %bitcast_convert_type3A_330, %lt3A_332 : vector<16xi32>
        %bitcast_convert_type3A_334 = tpu.bitcast %convert_element_type3A_327 : vector<16xi32> -> vector<16xi32>
        %lt3A_335 = arith.constant 48 : i32
        %lt3A_336 = vector.broadcast %lt3A_335 : i32 to vector<16xi32>
        %lt3A_337 = arith.cmpi ult, %bitcast_convert_type3A_334, %lt3A_336 : vector<16xi32>
        %and3A_338 = arith.andi %lt3A_333, %lt3A_337 : vector<16xi1>
        %mul3A_339 = arith.constant 48 : i32
        %mul3A_340 = vector.broadcast %mul3A_339 : i32 to vector<16xi32>
        %mul3A_341 = arith.muli %convert_element_type3A_324, %mul3A_340 : vector<16xi32>
        %add3A_342 = arith.addi %mul3A_341, %convert_element_type3A_327 : vector<16xi32>
        %bitcast_convert_type3A_343 = tpu.bitcast %add3A_342 : vector<16xi32> -> vector<16xi32>
        %min3A_344 = arith.constant 9599 : i32
        %min3A_345 = vector.broadcast %min3A_344 : i32 to vector<16xi32>
        %min3A_346 = arith.minui %bitcast_convert_type3A_343, %min3A_345 : vector<16xi32>
        %bitcast_convert_type3A_347 = tpu.bitcast %min3A_346 : vector<16xi32> -> vector<16xi32>
        %gather3A_348 = tpu.vector_load_idx %arg13[%bitcast_convert_type3A_347] : memref<9600xf32, #tpu.memory_space<vmem>>[vector<16xi32>], vector<16xf32>,
        %gather3A_349 = tpu.vector_load_idx %arg15[%bitcast_convert_type3A_347] : memref<9600xf32, #tpu.memory_space<vmem>>[vector<16xi32>], vector<16xf32>,
        %sub3A_350 = arith.subf %gather3A_348, %get3A_329 : vector<16xf32>
        %abs3A_351 = math.absf %sub3A_350 : vector<16xf32>
        %lt3A_352 = arith.constant 1.000000e+00 : f32
        %lt3A_353 = vector.broadcast %lt3A_352 : f32 to vector<16xf32>
        %lt3A_354 = arith.cmpf olt, %abs3A_351, %lt3A_353 : vector<16xf32>
        %mul3A_355 = arith.constant 5.000000e-01 : f32
        %mul3A_356 = vector.broadcast %mul3A_355 : f32 to vector<16xf32>
        %mul3A_357 = arith.mulf %mul3A_356, %sub3A_350 : vector<16xf32>
        %mul3A_358 = arith.mulf %mul3A_357, %sub3A_350 : vector<16xf32>
        %sub3A_359 = arith.constant 5.000000e-01 : f32
        %sub3A_360 = vector.broadcast %sub3A_359 : f32 to vector<16xf32>
        %sub3A_361 = arith.subf %abs3A_351, %sub3A_360 : vector<16xf32>
        %select_n3A_362 = arith.select %lt3A_354, %mul3A_358, %sub3A_361 : vector<16xi1>, vector<16xf32>
        %jit3A_363 = arith.constant 0.000000e+00 : f32
        %broadcast_in_dim3A_364 = vector.broadcast %jit3A_363 : f32 to vector<16xf32>
        %select_n3A_365 = arith.select %and3A_338, %gather3A_349, %broadcast_in_dim3A_364 : vector<16xi1>, vector<16xf32>
        %mul3A_366 = arith.mulf %select_n3A_362, %select_n3A_365 : vector<16xf32>
        %add3A_367 = arith.addf %scan3A_164, %mul3A_366 : vector<16xf32>
        %add3A_368 = arith.addf %scan3A_165, %select_n3A_365 : vector<16xf32>
        %scan3A_369 = arith.constant 1 : i32
        %scan3A_370 = arith.addi %scan3A_157, %scan3A_369 : i32
        %mul3A_371 = arith.constant 4 : i32
        %mul3A_372 = arith.muli %scan3A_370, %mul3A_371 : i32
        %add3A_373 = arith.constant 0 : i32
        %add3A_374 = arith.addi %mul3A_372, %add3A_373 : i32
        %mul3A_375 = arith.constant 16 : i32
        %mul3A_376 = arith.muli %add3A_374, %mul3A_375 : i32
        %get3A_377 = arith.index_cast %mul3A_376 : i32 to index
        %get3A_378 = tpu.vector_load %arg7[%get3A_377] {strides = array<i32>} : memref<9600xf32, #tpu.memory_space<vmem>>, vector<16xf32>,
        %convert_element_type3A_379 = arith.fptosi %get3A_378 : vector<16xf32> to vector<16xi32>
        %get3A_380 = arith.index_cast %mul3A_376 : i32 to index
        %get3A_381 = tpu.vector_load %arg9[%get3A_380] {strides = array<i32>} : memref<9600xf32, #tpu.memory_space<vmem>>, vector<16xf32>,
        %convert_element_type3A_382 = arith.fptosi %get3A_381 : vector<16xf32> to vector<16xi32>
        %get3A_383 = arith.index_cast %mul3A_376 : i32 to index
        %get3A_384 = tpu.vector_load %arg11[%get3A_383] {strides = array<i32>} : memref<9600xf32, #tpu.memory_space<vmem>>, vector<16xf32>,
        %bitcast_convert_type3A_385 = tpu.bitcast %convert_element_type3A_379 : vector<16xi32> -> vector<16xi32>
        %lt3A_386 = arith.constant 200 : i32
        %lt3A_387 = vector.broadcast %lt3A_386 : i32 to vector<16xi32>
        %lt3A_388 = arith.cmpi ult, %bitcast_convert_type3A_385, %lt3A_387 : vector<16xi32>
        %bitcast_convert_type3A_389 = tpu.bitcast %convert_element_type3A_382 : vector<16xi32> -> vector<16xi32>
        %lt3A_390 = arith.constant 48 : i32
        %lt3A_391 = vector.broadcast %lt3A_390 : i32 to vector<16xi32>
        %lt3A_392 = arith.cmpi ult, %bitcast_convert_type3A_389, %lt3A_391 : vector<16xi32>
        %and3A_393 = arith.andi %lt3A_388, %lt3A_392 : vector<16xi1>
        %mul3A_394 = arith.constant 48 : i32
        %mul3A_395 = vector.broadcast %mul3A_394 : i32 to vector<16xi32>
        %mul3A_396 = arith.muli %convert_element_type3A_379, %mul3A_395 : vector<16xi32>
        %add3A_397 = arith.addi %mul3A_396, %convert_element_type3A_382 : vector<16xi32>
        %bitcast_convert_type3A_398 = tpu.bitcast %add3A_397 : vector<16xi32> -> vector<16xi32>
        %min3A_399 = arith.constant 9599 : i32
        %min3A_400 = vector.broadcast %min3A_399 : i32 to vector<16xi32>
        %min3A_401 = arith.minui %bitcast_convert_type3A_398, %min3A_400 : vector<16xi32>
        %bitcast_convert_type3A_402 = tpu.bitcast %min3A_401 : vector<16xi32> -> vector<16xi32>
        %gather3A_403 = tpu.vector_load_idx %arg13[%bitcast_convert_type3A_402] : memref<9600xf32, #tpu.memory_space<vmem>>[vector<16xi32>], vector<16xf32>,
        %gather3A_404 = tpu.vector_load_idx %arg15[%bitcast_convert_type3A_402] : memref<9600xf32, #tpu.memory_space<vmem>>[vector<16xi32>], vector<16xf32>,
        %sub3A_405 = arith.subf %gather3A_403, %get3A_384 : vector<16xf32>
        %abs3A_406 = math.absf %sub3A_405 : vector<16xf32>
        %lt3A_407 = arith.constant 1.000000e+00 : f32
        %lt3A_408 = vector.broadcast %lt3A_407 : f32 to vector<16xf32>
        %lt3A_409 = arith.cmpf olt, %abs3A_406, %lt3A_408 : vector<16xf32>
        %mul3A_410 = arith.constant 5.000000e-01 : f32
        %mul3A_411 = vector.broadcast %mul3A_410 : f32 to vector<16xf32>
        %mul3A_412 = arith.mulf %mul3A_411, %sub3A_405 : vector<16xf32>
        %mul3A_413 = arith.mulf %mul3A_412, %sub3A_405 : vector<16xf32>
        %sub3A_414 = arith.constant 5.000000e-01 : f32
        %sub3A_415 = vector.broadcast %sub3A_414 : f32 to vector<16xf32>
        %sub3A_416 = arith.subf %abs3A_406, %sub3A_415 : vector<16xf32>
        %select_n3A_417 = arith.select %lt3A_409, %mul3A_413, %sub3A_416 : vector<16xi1>, vector<16xf32>
        %jit3A_418 = arith.constant 0.000000e+00 : f32
        %broadcast_in_dim3A_419 = vector.broadcast %jit3A_418 : f32 to vector<16xf32>
        %select_n3A_420 = arith.select %and3A_393, %gather3A_404, %broadcast_in_dim3A_419 : vector<16xi1>, vector<16xf32>
        %mul3A_421 = arith.mulf %select_n3A_417, %select_n3A_420 : vector<16xf32>
        %add3A_422 = arith.addf %add3A_208, %mul3A_421 : vector<16xf32>
        %add3A_423 = arith.addf %add3A_209, %select_n3A_420 : vector<16xf32>
        %mul3A_424 = arith.constant 4 : i32
        %mul3A_425 = arith.muli %scan3A_370, %mul3A_424 : i32
        %add3A_426 = arith.constant 1 : i32
        %add3A_427 = arith.addi %mul3A_425, %add3A_426 : i32
        %mul3A_428 = arith.constant 16 : i32
        %mul3A_429 = arith.muli %add3A_427, %mul3A_428 : i32
        %get3A_430 = arith.index_cast %mul3A_429 : i32 to index
        %get3A_431 = tpu.vector_load %arg7[%get3A_430] {strides = array<i32>} : memref<9600xf32, #tpu.memory_space<vmem>>, vector<16xf32>,
        %convert_element_type3A_432 = arith.fptosi %get3A_431 : vector<16xf32> to vector<16xi32>
        %get3A_433 = arith.index_cast %mul3A_429 : i32 to index
        %get3A_434 = tpu.vector_load %arg9[%get3A_433] {strides = array<i32>} : memref<9600xf32, #tpu.memory_space<vmem>>, vector<16xf32>,
        %convert_element_type3A_435 = arith.fptosi %get3A_434 : vector<16xf32> to vector<16xi32>
        %get3A_436 = arith.index_cast %mul3A_429 : i32 to index
        %get3A_437 = tpu.vector_load %arg11[%get3A_436] {strides = array<i32>} : memref<9600xf32, #tpu.memory_space<vmem>>, vector<16xf32>,
        %bitcast_convert_type3A_438 = tpu.bitcast %convert_element_type3A_432 : vector<16xi32> -> vector<16xi32>
        %lt3A_439 = arith.constant 200 : i32
        %lt3A_440 = vector.broadcast %lt3A_439 : i32 to vector<16xi32>
        %lt3A_441 = arith.cmpi ult, %bitcast_convert_type3A_438, %lt3A_440 : vector<16xi32>
        %bitcast_convert_type3A_442 = tpu.bitcast %convert_element_type3A_435 : vector<16xi32> -> vector<16xi32>
        %lt3A_443 = arith.constant 48 : i32
        %lt3A_444 = vector.broadcast %lt3A_443 : i32 to vector<16xi32>
        %lt3A_445 = arith.cmpi ult, %bitcast_convert_type3A_442, %lt3A_444 : vector<16xi32>
        %and3A_446 = arith.andi %lt3A_441, %lt3A_445 : vector<16xi1>
        %mul3A_447 = arith.constant 48 : i32
        %mul3A_448 = vector.broadcast %mul3A_447 : i32 to vector<16xi32>
        %mul3A_449 = arith.muli %convert_element_type3A_432, %mul3A_448 : vector<16xi32>
        %add3A_450 = arith.addi %mul3A_449, %convert_element_type3A_435 : vector<16xi32>
        %bitcast_convert_type3A_451 = tpu.bitcast %add3A_450 : vector<16xi32> -> vector<16xi32>
        %min3A_452 = arith.constant 9599 : i32
        %min3A_453 = vector.broadcast %min3A_452 : i32 to vector<16xi32>
        %min3A_454 = arith.minui %bitcast_convert_type3A_451, %min3A_453 : vector<16xi32>
        %bitcast_convert_type3A_455 = tpu.bitcast %min3A_454 : vector<16xi32> -> vector<16xi32>
        %gather3A_456 = tpu.vector_load_idx %arg13[%bitcast_convert_type3A_455] : memref<9600xf32, #tpu.memory_space<vmem>>[vector<16xi32>], vector<16xf32>,
        %gather3A_457 = tpu.vector_load_idx %arg15[%bitcast_convert_type3A_455] : memref<9600xf32, #tpu.memory_space<vmem>>[vector<16xi32>], vector<16xf32>,
        %sub3A_458 = arith.subf %gather3A_456, %get3A_437 : vector<16xf32>
        %abs3A_459 = math.absf %sub3A_458 : vector<16xf32>
        %lt3A_460 = arith.constant 1.000000e+00 : f32
        %lt3A_461 = vector.broadcast %lt3A_460 : f32 to vector<16xf32>
        %lt3A_462 = arith.cmpf olt, %abs3A_459, %lt3A_461 : vector<16xf32>
        %mul3A_463 = arith.constant 5.000000e-01 : f32
        %mul3A_464 = vector.broadcast %mul3A_463 : f32 to vector<16xf32>
        %mul3A_465 = arith.mulf %mul3A_464, %sub3A_458 : vector<16xf32>
        %mul3A_466 = arith.mulf %mul3A_465, %sub3A_458 : vector<16xf32>
        %sub3A_467 = arith.constant 5.000000e-01 : f32
        %sub3A_468 = vector.broadcast %sub3A_467 : f32 to vector<16xf32>
        %sub3A_469 = arith.subf %abs3A_459, %sub3A_468 : vector<16xf32>
        %select_n3A_470 = arith.select %lt3A_462, %mul3A_466, %sub3A_469 : vector<16xi1>, vector<16xf32>
        %jit3A_471 = arith.constant 0.000000e+00 : f32
        %broadcast_in_dim3A_472 = vector.broadcast %jit3A_471 : f32 to vector<16xf32>
        %select_n3A_473 = arith.select %and3A_446, %gather3A_457, %broadcast_in_dim3A_472 : vector<16xi1>, vector<16xf32>
        %mul3A_474 = arith.mulf %select_n3A_470, %select_n3A_473 : vector<16xf32>
        %add3A_475 = arith.addf %add3A_261, %mul3A_474 : vector<16xf32>
        %add3A_476 = arith.addf %add3A_262, %select_n3A_473 : vector<16xf32>
        %mul3A_477 = arith.constant 4 : i32
        %mul3A_478 = arith.muli %scan3A_370, %mul3A_477 : i32
        %add3A_479 = arith.constant 2 : i32
        %add3A_480 = arith.addi %mul3A_478, %add3A_479 : i32
        %mul3A_481 = arith.constant 16 : i32
        %mul3A_482 = arith.muli %add3A_480, %mul3A_481 : i32
        %get3A_483 = arith.index_cast %mul3A_482 : i32 to index
        %get3A_484 = tpu.vector_load %arg7[%get3A_483] {strides = array<i32>} : memref<9600xf32, #tpu.memory_space<vmem>>, vector<16xf32>,
        %convert_element_type3A_485 = arith.fptosi %get3A_484 : vector<16xf32> to vector<16xi32>
        %get3A_486 = arith.index_cast %mul3A_482 : i32 to index
        %get3A_487 = tpu.vector_load %arg9[%get3A_486] {strides = array<i32>} : memref<9600xf32, #tpu.memory_space<vmem>>, vector<16xf32>,
        %convert_element_type3A_488 = arith.fptosi %get3A_487 : vector<16xf32> to vector<16xi32>
        %get3A_489 = arith.index_cast %mul3A_482 : i32 to index
        %get3A_490 = tpu.vector_load %arg11[%get3A_489] {strides = array<i32>} : memref<9600xf32, #tpu.memory_space<vmem>>, vector<16xf32>,
        %bitcast_convert_type3A_491 = tpu.bitcast %convert_element_type3A_485 : vector<16xi32> -> vector<16xi32>
        %lt3A_492 = arith.constant 200 : i32
        %lt3A_493 = vector.broadcast %lt3A_492 : i32 to vector<16xi32>
        %lt3A_494 = arith.cmpi ult, %bitcast_convert_type3A_491, %lt3A_493 : vector<16xi32>
        %bitcast_convert_type3A_495 = tpu.bitcast %convert_element_type3A_488 : vector<16xi32> -> vector<16xi32>
        %lt3A_496 = arith.constant 48 : i32
        %lt3A_497 = vector.broadcast %lt3A_496 : i32 to vector<16xi32>
        %lt3A_498 = arith.cmpi ult, %bitcast_convert_type3A_495, %lt3A_497 : vector<16xi32>
        %and3A_499 = arith.andi %lt3A_494, %lt3A_498 : vector<16xi1>
        %mul3A_500 = arith.constant 48 : i32
        %mul3A_501 = vector.broadcast %mul3A_500 : i32 to vector<16xi32>
        %mul3A_502 = arith.muli %convert_element_type3A_485, %mul3A_501 : vector<16xi32>
        %add3A_503 = arith.addi %mul3A_502, %convert_element_type3A_488 : vector<16xi32>
        %bitcast_convert_type3A_504 = tpu.bitcast %add3A_503 : vector<16xi32> -> vector<16xi32>
        %min3A_505 = arith.constant 9599 : i32
        %min3A_506 = vector.broadcast %min3A_505 : i32 to vector<16xi32>
        %min3A_507 = arith.minui %bitcast_convert_type3A_504, %min3A_506 : vector<16xi32>
        %bitcast_convert_type3A_508 = tpu.bitcast %min3A_507 : vector<16xi32> -> vector<16xi32>
        %gather3A_509 = tpu.vector_load_idx %arg13[%bitcast_convert_type3A_508] : memref<9600xf32, #tpu.memory_space<vmem>>[vector<16xi32>], vector<16xf32>,
        %gather3A_510 = tpu.vector_load_idx %arg15[%bitcast_convert_type3A_508] : memref<9600xf32, #tpu.memory_space<vmem>>[vector<16xi32>], vector<16xf32>,
        %sub3A_511 = arith.subf %gather3A_509, %get3A_490 : vector<16xf32>
        %abs3A_512 = math.absf %sub3A_511 : vector<16xf32>
        %lt3A_513 = arith.constant 1.000000e+00 : f32
        %lt3A_514 = vector.broadcast %lt3A_513 : f32 to vector<16xf32>
        %lt3A_515 = arith.cmpf olt, %abs3A_512, %lt3A_514 : vector<16xf32>
        %mul3A_516 = arith.constant 5.000000e-01 : f32
        %mul3A_517 = vector.broadcast %mul3A_516 : f32 to vector<16xf32>
        %mul3A_518 = arith.mulf %mul3A_517, %sub3A_511 : vector<16xf32>
        %mul3A_519 = arith.mulf %mul3A_518, %sub3A_511 : vector<16xf32>
        %sub3A_520 = arith.constant 5.000000e-01 : f32
        %sub3A_521 = vector.broadcast %sub3A_520 : f32 to vector<16xf32>
        %sub3A_522 = arith.subf %abs3A_512, %sub3A_521 : vector<16xf32>
        %select_n3A_523 = arith.select %lt3A_515, %mul3A_519, %sub3A_522 : vector<16xi1>, vector<16xf32>
        %jit3A_524 = arith.constant 0.000000e+00 : f32
        %broadcast_in_dim3A_525 = vector.broadcast %jit3A_524 : f32 to vector<16xf32>
        %select_n3A_526 = arith.select %and3A_499, %gather3A_510, %broadcast_in_dim3A_525 : vector<16xi1>, vector<16xf32>
        %mul3A_527 = arith.mulf %select_n3A_523, %select_n3A_526 : vector<16xf32>
        %add3A_528 = arith.addf %add3A_314, %mul3A_527 : vector<16xf32>
        %add3A_529 = arith.addf %add3A_315, %select_n3A_526 : vector<16xf32>
        %mul3A_530 = arith.constant 4 : i32
        %mul3A_531 = arith.muli %scan3A_370, %mul3A_530 : i32
        %add3A_532 = arith.constant 3 : i32
        %add3A_533 = arith.addi %mul3A_531, %add3A_532 : i32
        %mul3A_534 = arith.constant 16 : i32
        %mul3A_535 = arith.muli %add3A_533, %mul3A_534 : i32
        %get3A_536 = arith.index_cast %mul3A_535 : i32 to index
        %get3A_537 = tpu.vector_load %arg7[%get3A_536] {strides = array<i32>} : memref<9600xf32, #tpu.memory_space<vmem>>, vector<16xf32>,
        %convert_element_type3A_538 = arith.fptosi %get3A_537 : vector<16xf32> to vector<16xi32>
        %get3A_539 = arith.index_cast %mul3A_535 : i32 to index
        %get3A_540 = tpu.vector_load %arg9[%get3A_539] {strides = array<i32>} : memref<9600xf32, #tpu.memory_space<vmem>>, vector<16xf32>,
        %convert_element_type3A_541 = arith.fptosi %get3A_540 : vector<16xf32> to vector<16xi32>
        %get3A_542 = arith.index_cast %mul3A_535 : i32 to index
        %get3A_543 = tpu.vector_load %arg11[%get3A_542] {strides = array<i32>} : memref<9600xf32, #tpu.memory_space<vmem>>, vector<16xf32>,
        %bitcast_convert_type3A_544 = tpu.bitcast %convert_element_type3A_538 : vector<16xi32> -> vector<16xi32>
        %lt3A_545 = arith.constant 200 : i32
        %lt3A_546 = vector.broadcast %lt3A_545 : i32 to vector<16xi32>
        %lt3A_547 = arith.cmpi ult, %bitcast_convert_type3A_544, %lt3A_546 : vector<16xi32>
        %bitcast_convert_type3A_548 = tpu.bitcast %convert_element_type3A_541 : vector<16xi32> -> vector<16xi32>
        %lt3A_549 = arith.constant 48 : i32
        %lt3A_550 = vector.broadcast %lt3A_549 : i32 to vector<16xi32>
        %lt3A_551 = arith.cmpi ult, %bitcast_convert_type3A_548, %lt3A_550 : vector<16xi32>
        %and3A_552 = arith.andi %lt3A_547, %lt3A_551 : vector<16xi1>
        %mul3A_553 = arith.constant 48 : i32
        %mul3A_554 = vector.broadcast %mul3A_553 : i32 to vector<16xi32>
        %mul3A_555 = arith.muli %convert_element_type3A_538, %mul3A_554 : vector<16xi32>
        %add3A_556 = arith.addi %mul3A_555, %convert_element_type3A_541 : vector<16xi32>
        %bitcast_convert_type3A_557 = tpu.bitcast %add3A_556 : vector<16xi32> -> vector<16xi32>
        %min3A_558 = arith.constant 9599 : i32
        %min3A_559 = vector.broadcast %min3A_558 : i32 to vector<16xi32>
        %min3A_560 = arith.minui %bitcast_convert_type3A_557, %min3A_559 : vector<16xi32>
        %bitcast_convert_type3A_561 = tpu.bitcast %min3A_560 : vector<16xi32> -> vector<16xi32>
        %gather3A_562 = tpu.vector_load_idx %arg13[%bitcast_convert_type3A_561] : memref<9600xf32, #tpu.memory_space<vmem>>[vector<16xi32>], vector<16xf32>,
        %gather3A_563 = tpu.vector_load_idx %arg15[%bitcast_convert_type3A_561] : memref<9600xf32, #tpu.memory_space<vmem>>[vector<16xi32>], vector<16xf32>,
        %sub3A_564 = arith.subf %gather3A_562, %get3A_543 : vector<16xf32>
        %abs3A_565 = math.absf %sub3A_564 : vector<16xf32>
        %lt3A_566 = arith.constant 1.000000e+00 : f32
        %lt3A_567 = vector.broadcast %lt3A_566 : f32 to vector<16xf32>
        %lt3A_568 = arith.cmpf olt, %abs3A_565, %lt3A_567 : vector<16xf32>
        %mul3A_569 = arith.constant 5.000000e-01 : f32
        %mul3A_570 = vector.broadcast %mul3A_569 : f32 to vector<16xf32>
        %mul3A_571 = arith.mulf %mul3A_570, %sub3A_564 : vector<16xf32>
        %mul3A_572 = arith.mulf %mul3A_571, %sub3A_564 : vector<16xf32>
        %sub3A_573 = arith.constant 5.000000e-01 : f32
        %sub3A_574 = vector.broadcast %sub3A_573 : f32 to vector<16xf32>
        %sub3A_575 = arith.subf %abs3A_565, %sub3A_574 : vector<16xf32>
        %select_n3A_576 = arith.select %lt3A_568, %mul3A_572, %sub3A_575 : vector<16xi1>, vector<16xf32>
        %jit3A_577 = arith.constant 0.000000e+00 : f32
        %broadcast_in_dim3A_578 = vector.broadcast %jit3A_577 : f32 to vector<16xf32>
        %select_n3A_579 = arith.select %and3A_552, %gather3A_563, %broadcast_in_dim3A_578 : vector<16xi1>, vector<16xf32>
        %mul3A_580 = arith.mulf %select_n3A_576, %select_n3A_579 : vector<16xf32>
        %add3A_581 = arith.addf %add3A_367, %mul3A_580 : vector<16xf32>
        %add3A_582 = arith.addf %add3A_368, %select_n3A_579 : vector<16xf32>
        scf.yield %add3A_422, %add3A_423, %add3A_475, %add3A_476, %add3A_528, %add3A_529, %add3A_581, %add3A_582 : vector<16xf32>, vector<16xf32>, vector<16xf32>, vector<16xf32>, vector<16xf32>, vector<16xf32>, vector<16xf32>, vector<16xf32>
      }
      %scan3A_105 = arith.constant 150 : i32
      %mul3A_106 = arith.constant 2 : i32
      %mul3A_107 = arith.muli %mul3A_106, %scan3A_50 : i32
      %add3A_108 = arith.constant 1 : i32
      %add3A_109 = arith.addi %mul3A_107, %add3A_108 : i32
      %add3A_110 = arith.addi %mul3A_2, %add3A_109 : i32
      %add3A_111 = arith.constant 1 : i32
      %add3A_112 = arith.addi %add3A_109, %add3A_111 : i32
      %lt3A_113 = arith.constant 32 : i32
      %lt3A_114 = arith.cmpi slt, %add3A_112, %lt3A_113 : i32
      %convert_element_type3A_115 = arith.extui %lt3A_114 : i1 to i32
      %cond3A_116 = arith.constant 0 : i32
      %cond3A_117 = arith.cmpi ne, %convert_element_type3A_115, %cond3A_116 : i32
      scf.if %cond3A_117 {
        %add3A_157 = arith.constant 1 : i32
        %add3A_158 = arith.addi %add3A_110, %add3A_157 : i32
        %dma_start3A_159 = arith.constant 0 : i32
        %dma_start3A_160 = tpu.memref_slice %arg2[%add3A_158, %dma_start3A_159] : memref<1024x9600xf32, #tpu.memory_space<hbm>> -> memref<1x9600xf32, #tpu.memory_space<hbm>>
        %dma_start3A_161 = tpu.memref_squeeze %dma_start3A_160 : memref<1x9600xf32, #tpu.memory_space<hbm>> -> memref<9600xf32, #tpu.memory_space<hbm>>
        %dma_start3A_162 = arith.constant 0 : i32
        %dma_start3A_163 = tpu.memref_slice %arg2[%add3A_158, %dma_start3A_162] : memref<1024x9600xf32, #tpu.memory_space<hbm>> -> memref<1x9600xf32, #tpu.memory_space<hbm>>
        %dma_start3A_164 = tpu.memref_squeeze %dma_start3A_163 : memref<1x9600xf32, #tpu.memory_space<hbm>> -> memref<9600xf32, #tpu.memory_space<hbm>>
        tpu.enqueue_dma source(%dma_start3A_164 : memref<9600xf32, #tpu.memory_space<hbm>>) target(%arg13 : memref<9600xf32, #tpu.memory_space<vmem>>) target_semaphore(%arg19 : memref<!tpu.dma_semaphore, #tpu.memory_space<semaphore_mem>>)
        %dma_start3A_165 = arith.constant 0 : i32
        %dma_start3A_166 = tpu.memref_slice %arg3[%add3A_158, %dma_start3A_165] : memref<1024x9600xf32, #tpu.memory_space<hbm>> -> memref<1x9600xf32, #tpu.memory_space<hbm>>
        %dma_start3A_167 = tpu.memref_squeeze %dma_start3A_166 : memref<1x9600xf32, #tpu.memory_space<hbm>> -> memref<9600xf32, #tpu.memory_space<hbm>>
        %dma_start3A_168 = arith.constant 0 : i32
        %dma_start3A_169 = tpu.memref_slice %arg3[%add3A_158, %dma_start3A_168] : memref<1024x9600xf32, #tpu.memory_space<hbm>> -> memref<1x9600xf32, #tpu.memory_space<hbm>>
        %dma_start3A_170 = tpu.memref_squeeze %dma_start3A_169 : memref<1x9600xf32, #tpu.memory_space<hbm>> -> memref<9600xf32, #tpu.memory_space<hbm>>
        tpu.enqueue_dma source(%dma_start3A_170 : memref<9600xf32, #tpu.memory_space<hbm>>) target(%arg15 : memref<9600xf32, #tpu.memory_space<vmem>>) target_semaphore(%arg19 : memref<!tpu.dma_semaphore, #tpu.memory_space<semaphore_mem>>)
        %dma_start3A_171 = arith.constant 0 : i32
        %dma_start3A_172 = arith.constant 0 : i32
        %dma_start3A_173 = tpu.memref_slice %arg4[%dma_start3A_171, %add3A_158, %dma_start3A_172] : memref<3x1024x9600xf32, #tpu.memory_space<hbm>> -> memref<1x1x9600xf32, #tpu.memory_space<hbm>>
        %dma_start3A_174 = tpu.memref_squeeze %dma_start3A_173 : memref<1x1x9600xf32, #tpu.memory_space<hbm>> -> memref<9600xf32, #tpu.memory_space<hbm>>
        %dma_start3A_175 = arith.constant 0 : i32
        %dma_start3A_176 = tpu.memref_slice %arg4[%dma_start3A_171, %add3A_158, %dma_start3A_175] : memref<3x1024x9600xf32, #tpu.memory_space<hbm>> -> memref<1x1x9600xf32, #tpu.memory_space<hbm>>
        %dma_start3A_177 = tpu.memref_squeeze %dma_start3A_176 : memref<1x1x9600xf32, #tpu.memory_space<hbm>> -> memref<9600xf32, #tpu.memory_space<hbm>>
        tpu.enqueue_dma source(%dma_start3A_177 : memref<9600xf32, #tpu.memory_space<hbm>>) target(%arg7 : memref<9600xf32, #tpu.memory_space<vmem>>) target_semaphore(%arg19 : memref<!tpu.dma_semaphore, #tpu.memory_space<semaphore_mem>>)
        %dma_start3A_178 = arith.constant 1 : i32
        %dma_start3A_179 = arith.constant 0 : i32
        %dma_start3A_180 = tpu.memref_slice %arg4[%dma_start3A_178, %add3A_158, %dma_start3A_179] : memref<3x1024x9600xf32, #tpu.memory_space<hbm>> -> memref<1x1x9600xf32, #tpu.memory_space<hbm>>
        %dma_start3A_181 = tpu.memref_squeeze %dma_start3A_180 : memref<1x1x9600xf32, #tpu.memory_space<hbm>> -> memref<9600xf32, #tpu.memory_space<hbm>>
        %dma_start3A_182 = arith.constant 0 : i32
        %dma_start3A_183 = tpu.memref_slice %arg4[%dma_start3A_178, %add3A_158, %dma_start3A_182] : memref<3x1024x9600xf32, #tpu.memory_space<hbm>> -> memref<1x1x9600xf32, #tpu.memory_space<hbm>>
        %dma_start3A_184 = tpu.memref_squeeze %dma_start3A_183 : memref<1x1x9600xf32, #tpu.memory_space<hbm>> -> memref<9600xf32, #tpu.memory_space<hbm>>
        tpu.enqueue_dma source(%dma_start3A_184 : memref<9600xf32, #tpu.memory_space<hbm>>) target(%arg9 : memref<9600xf32, #tpu.memory_space<vmem>>) target_semaphore(%arg19 : memref<!tpu.dma_semaphore, #tpu.memory_space<semaphore_mem>>)
        %dma_start3A_185 = arith.constant 2 : i32
        %dma_start3A_186 = arith.constant 0 : i32
        %dma_start3A_187 = tpu.memref_slice %arg4[%dma_start3A_185, %add3A_158, %dma_start3A_186] : memref<3x1024x9600xf32, #tpu.memory_space<hbm>> -> memref<1x1x9600xf32, #tpu.memory_space<hbm>>
        %dma_start3A_188 = tpu.memref_squeeze %dma_start3A_187 : memref<1x1x9600xf32, #tpu.memory_space<hbm>> -> memref<9600xf32, #tpu.memory_space<hbm>>
        %dma_start3A_189 = arith.constant 0 : i32
        %dma_start3A_190 = tpu.memref_slice %arg4[%dma_start3A_185, %add3A_158, %dma_start3A_189] : memref<3x1024x9600xf32, #tpu.memory_space<hbm>> -> memref<1x1x9600xf32, #tpu.memory_space<hbm>>
        %dma_start3A_191 = tpu.memref_squeeze %dma_start3A_190 : memref<1x1x9600xf32, #tpu.memory_space<hbm>> -> memref<9600xf32, #tpu.memory_space<hbm>>
        tpu.enqueue_dma source(%dma_start3A_191 : memref<9600xf32, #tpu.memory_space<hbm>>) target(%arg11 : memref<9600xf32, #tpu.memory_space<vmem>>) target_semaphore(%arg19 : memref<!tpu.dma_semaphore, #tpu.memory_space<semaphore_mem>>)
      } else {
      }
      %dma_wait3A_118 = arith.constant 0 : i32
      %dma_wait3A_119 = tpu.memref_slice %arg2[%add3A_110, %dma_wait3A_118] : memref<1024x9600xf32, #tpu.memory_space<hbm>> -> memref<1x9600xf32, #tpu.memory_space<hbm>>
      %dma_wait3A_120 = tpu.memref_squeeze %dma_wait3A_119 : memref<1x9600xf32, #tpu.memory_space<hbm>> -> memref<9600xf32, #tpu.memory_space<hbm>>
      %dma_wait3A_121 = arith.constant 0 : i32
      %dma_wait3A_122 = tpu.memref_slice %arg2[%add3A_110, %dma_wait3A_121] : memref<1024x9600xf32, #tpu.memory_space<hbm>> -> memref<1x9600xf32, #tpu.memory_space<hbm>>
      %dma_wait3A_123 = tpu.memref_squeeze %dma_wait3A_122 : memref<1x9600xf32, #tpu.memory_space<hbm>> -> memref<9600xf32, #tpu.memory_space<hbm>>
      tpu.wait_dma2 semaphore(%arg20 : memref<!tpu.dma_semaphore, #tpu.memory_space<semaphore_mem>>) src(%dma_wait3A_123 : memref<9600xf32, #tpu.memory_space<hbm>>) dst(%arg14 : memref<9600xf32, #tpu.memory_space<vmem>>)
      %dma_wait3A_124 = arith.constant 0 : i32
      %dma_wait3A_125 = tpu.memref_slice %arg3[%add3A_110, %dma_wait3A_124] : memref<1024x9600xf32, #tpu.memory_space<hbm>> -> memref<1x9600xf32, #tpu.memory_space<hbm>>
      %dma_wait3A_126 = tpu.memref_squeeze %dma_wait3A_125 : memref<1x9600xf32, #tpu.memory_space<hbm>> -> memref<9600xf32, #tpu.memory_space<hbm>>
      %dma_wait3A_127 = arith.constant 0 : i32
      %dma_wait3A_128 = tpu.memref_slice %arg3[%add3A_110, %dma_wait3A_127] : memref<1024x9600xf32, #tpu.memory_space<hbm>> -> memref<1x9600xf32, #tpu.memory_space<hbm>>
      %dma_wait3A_129 = tpu.memref_squeeze %dma_wait3A_128 : memref<1x9600xf32, #tpu.memory_space<hbm>> -> memref<9600xf32, #tpu.memory_space<hbm>>
      tpu.wait_dma2 semaphore(%arg20 : memref<!tpu.dma_semaphore, #tpu.memory_space<semaphore_mem>>) src(%dma_wait3A_129 : memref<9600xf32, #tpu.memory_space<hbm>>) dst(%arg16 : memref<9600xf32, #tpu.memory_space<vmem>>)
      %dma_wait3A_130 = arith.constant 0 : i32
      %dma_wait3A_131 = arith.constant 0 : i32
      %dma_wait3A_132 = tpu.memref_slice %arg4[%dma_wait3A_130, %add3A_110, %dma_wait3A_131] : memref<3x1024x9600xf32, #tpu.memory_space<hbm>> -> memref<1x1x9600xf32, #tpu.memory_space<hbm>>
      %dma_wait3A_133 = tpu.memref_squeeze %dma_wait3A_132 : memref<1x1x9600xf32, #tpu.memory_space<hbm>> -> memref<9600xf32, #tpu.memory_space<hbm>>
      %dma_wait3A_134 = arith.constant 0 : i32
      %dma_wait3A_135 = tpu.memref_slice %arg4[%dma_wait3A_130, %add3A_110, %dma_wait3A_134] : memref<3x1024x9600xf32, #tpu.memory_space<hbm>> -> memref<1x1x9600xf32, #tpu.memory_space<hbm>>
      %dma_wait3A_136 = tpu.memref_squeeze %dma_wait3A_135 : memref<1x1x9600xf32, #tpu.memory_space<hbm>> -> memref<9600xf32, #tpu.memory_space<hbm>>
      tpu.wait_dma2 semaphore(%arg20 : memref<!tpu.dma_semaphore, #tpu.memory_space<semaphore_mem>>) src(%dma_wait3A_136 : memref<9600xf32, #tpu.memory_space<hbm>>) dst(%arg8 : memref<9600xf32, #tpu.memory_space<vmem>>)
      %dma_wait3A_137 = arith.constant 1 : i32
      %dma_wait3A_138 = arith.constant 0 : i32
      %dma_wait3A_139 = tpu.memref_slice %arg4[%dma_wait3A_137, %add3A_110, %dma_wait3A_138] : memref<3x1024x9600xf32, #tpu.memory_space<hbm>> -> memref<1x1x9600xf32, #tpu.memory_space<hbm>>
      %dma_wait3A_140 = tpu.memref_squeeze %dma_wait3A_139 : memref<1x1x9600xf32, #tpu.memory_space<hbm>> -> memref<9600xf32, #tpu.memory_space<hbm>>
      %dma_wait3A_141 = arith.constant 0 : i32
      %dma_wait3A_142 = tpu.memref_slice %arg4[%dma_wait3A_137, %add3A_110, %dma_wait3A_141] : memref<3x1024x9600xf32, #tpu.memory_space<hbm>> -> memref<1x1x9600xf32, #tpu.memory_space<hbm>>
      %dma_wait3A_143 = tpu.memref_squeeze %dma_wait3A_142 : memref<1x1x9600xf32, #tpu.memory_space<hbm>> -> memref<9600xf32, #tpu.memory_space<hbm>>
      tpu.wait_dma2 semaphore(%arg20 : memref<!tpu.dma_semaphore, #tpu.memory_space<semaphore_mem>>) src(%dma_wait3A_143 : memref<9600xf32, #tpu.memory_space<hbm>>) dst(%arg10 : memref<9600xf32, #tpu.memory_space<vmem>>)
      %dma_wait3A_144 = arith.constant 2 : i32
      %dma_wait3A_145 = arith.constant 0 : i32
      %dma_wait3A_146 = tpu.memref_slice %arg4[%dma_wait3A_144, %add3A_110, %dma_wait3A_145] : memref<3x1024x9600xf32, #tpu.memory_space<hbm>> -> memref<1x1x9600xf32, #tpu.memory_space<hbm>>
      %dma_wait3A_147 = tpu.memref_squeeze %dma_wait3A_146 : memref<1x1x9600xf32, #tpu.memory_space<hbm>> -> memref<9600xf32, #tpu.memory_space<hbm>>
      %dma_wait3A_148 = arith.constant 0 : i32
      %dma_wait3A_149 = tpu.memref_slice %arg4[%dma_wait3A_144, %add3A_110, %dma_wait3A_148] : memref<3x1024x9600xf32, #tpu.memory_space<hbm>> -> memref<1x1x9600xf32, #tpu.memory_space<hbm>>
      %dma_wait3A_150 = tpu.memref_squeeze %dma_wait3A_149 : memref<1x1x9600xf32, #tpu.memory_space<hbm>> -> memref<9600xf32, #tpu.memory_space<hbm>>
      tpu.wait_dma2 semaphore(%arg20 : memref<!tpu.dma_semaphore, #tpu.memory_space<semaphore_mem>>) src(%dma_wait3A_150 : memref<9600xf32, #tpu.memory_space<hbm>>) dst(%arg12 : memref<9600xf32, #tpu.memory_space<vmem>>)
      %scan3A_151 = arith.constant 0 : i32
      %scan3A_152 = arith.constant 150 : i32
      %scan3A_153 = arith.addi %scan3A_151, %scan3A_152 : i32
      %scan3A_154 = arith.constant 2 : i32
      %scan3A_155:8 = scf.for %scan3A_157 = %scan3A_151 to %scan3A_153 step %scan3A_154 iter_args(%scan3A_158 = %scan3A_104#0, %scan3A_159 = %scan3A_104#1, %scan3A_160 = %scan3A_104#2, %scan3A_161 = %scan3A_104#3, %scan3A_162 = %scan3A_104#4, %scan3A_163 = %scan3A_104#5, %scan3A_164 = %scan3A_104#6, %scan3A_165 = %scan3A_104#7) -> (vector<16xf32>, vector<16xf32>, vector<16xf32>, vector<16xf32>, vector<16xf32>, vector<16xf32>, vector<16xf32>, vector<16xf32>)  : i32 {
        %mul3A_166 = arith.constant 4 : i32
        %mul3A_167 = arith.muli %scan3A_157, %mul3A_166 : i32
        %add3A_168 = arith.constant 0 : i32
        %add3A_169 = arith.addi %mul3A_167, %add3A_168 : i32
        %mul3A_170 = arith.constant 16 : i32
        %mul3A_171 = arith.muli %add3A_169, %mul3A_170 : i32
        %get3A = arith.index_cast %mul3A_171 : i32 to index
        %get3A_172 = tpu.vector_load %arg8[%get3A] {strides = array<i32>} : memref<9600xf32, #tpu.memory_space<vmem>>, vector<16xf32>,
        %convert_element_type3A_173 = arith.fptosi %get3A_172 : vector<16xf32> to vector<16xi32>
        %get3A_174 = arith.index_cast %mul3A_171 : i32 to index
        %get3A_175 = tpu.vector_load %arg10[%get3A_174] {strides = array<i32>} : memref<9600xf32, #tpu.memory_space<vmem>>, vector<16xf32>,
        %convert_element_type3A_176 = arith.fptosi %get3A_175 : vector<16xf32> to vector<16xi32>
        %get3A_177 = arith.index_cast %mul3A_171 : i32 to index
        %get3A_178 = tpu.vector_load %arg12[%get3A_177] {strides = array<i32>} : memref<9600xf32, #tpu.memory_space<vmem>>, vector<16xf32>,
        %bitcast_convert_type3A = tpu.bitcast %convert_element_type3A_173 : vector<16xi32> -> vector<16xi32>
        %lt3A_179 = arith.constant 200 : i32
        %lt3A_180 = vector.broadcast %lt3A_179 : i32 to vector<16xi32>
        %lt3A_181 = arith.cmpi ult, %bitcast_convert_type3A, %lt3A_180 : vector<16xi32>
        %bitcast_convert_type3A_182 = tpu.bitcast %convert_element_type3A_176 : vector<16xi32> -> vector<16xi32>
        %lt3A_183 = arith.constant 48 : i32
        %lt3A_184 = vector.broadcast %lt3A_183 : i32 to vector<16xi32>
        %lt3A_185 = arith.cmpi ult, %bitcast_convert_type3A_182, %lt3A_184 : vector<16xi32>
        %and3A = arith.andi %lt3A_181, %lt3A_185 : vector<16xi1>
        %mul3A_186 = arith.constant 48 : i32
        %mul3A_187 = vector.broadcast %mul3A_186 : i32 to vector<16xi32>
        %mul3A_188 = arith.muli %convert_element_type3A_173, %mul3A_187 : vector<16xi32>
        %add3A_189 = arith.addi %mul3A_188, %convert_element_type3A_176 : vector<16xi32>
        %bitcast_convert_type3A_190 = tpu.bitcast %add3A_189 : vector<16xi32> -> vector<16xi32>
        %min3A = arith.constant 9599 : i32
        %min3A_191 = vector.broadcast %min3A : i32 to vector<16xi32>
        %min3A_192 = arith.minui %bitcast_convert_type3A_190, %min3A_191 : vector<16xi32>
        %bitcast_convert_type3A_193 = tpu.bitcast %min3A_192 : vector<16xi32> -> vector<16xi32>
        %gather3A = tpu.vector_load_idx %arg14[%bitcast_convert_type3A_193] : memref<9600xf32, #tpu.memory_space<vmem>>[vector<16xi32>], vector<16xf32>,
        %gather3A_194 = tpu.vector_load_idx %arg16[%bitcast_convert_type3A_193] : memref<9600xf32, #tpu.memory_space<vmem>>[vector<16xi32>], vector<16xf32>,
        %sub3A = arith.subf %gather3A, %get3A_178 : vector<16xf32>
        %abs3A = math.absf %sub3A : vector<16xf32>
        %lt3A_195 = arith.constant 1.000000e+00 : f32
        %lt3A_196 = vector.broadcast %lt3A_195 : f32 to vector<16xf32>
        %lt3A_197 = arith.cmpf olt, %abs3A, %lt3A_196 : vector<16xf32>
        %mul3A_198 = arith.constant 5.000000e-01 : f32
        %mul3A_199 = vector.broadcast %mul3A_198 : f32 to vector<16xf32>
        %mul3A_200 = arith.mulf %mul3A_199, %sub3A : vector<16xf32>
        %mul3A_201 = arith.mulf %mul3A_200, %sub3A : vector<16xf32>
        %sub3A_202 = arith.constant 5.000000e-01 : f32
        %sub3A_203 = vector.broadcast %sub3A_202 : f32 to vector<16xf32>
        %sub3A_204 = arith.subf %abs3A, %sub3A_203 : vector<16xf32>
        %select_n3A = arith.select %lt3A_197, %mul3A_201, %sub3A_204 : vector<16xi1>, vector<16xf32>
        %jit3A = arith.constant 0.000000e+00 : f32
        %broadcast_in_dim3A_205 = vector.broadcast %jit3A : f32 to vector<16xf32>
        %select_n3A_206 = arith.select %and3A, %gather3A_194, %broadcast_in_dim3A_205 : vector<16xi1>, vector<16xf32>
        %mul3A_207 = arith.mulf %select_n3A, %select_n3A_206 : vector<16xf32>
        %add3A_208 = arith.addf %scan3A_158, %mul3A_207 : vector<16xf32>
        %add3A_209 = arith.addf %scan3A_159, %select_n3A_206 : vector<16xf32>
        %mul3A_210 = arith.constant 4 : i32
        %mul3A_211 = arith.muli %scan3A_157, %mul3A_210 : i32
        %add3A_212 = arith.constant 1 : i32
        %add3A_213 = arith.addi %mul3A_211, %add3A_212 : i32
        %mul3A_214 = arith.constant 16 : i32
        %mul3A_215 = arith.muli %add3A_213, %mul3A_214 : i32
        %get3A_216 = arith.index_cast %mul3A_215 : i32 to index
        %get3A_217 = tpu.vector_load %arg8[%get3A_216] {strides = array<i32>} : memref<9600xf32, #tpu.memory_space<vmem>>, vector<16xf32>,
        %convert_element_type3A_218 = arith.fptosi %get3A_217 : vector<16xf32> to vector<16xi32>
        %get3A_219 = arith.index_cast %mul3A_215 : i32 to index
        %get3A_220 = tpu.vector_load %arg10[%get3A_219] {strides = array<i32>} : memref<9600xf32, #tpu.memory_space<vmem>>, vector<16xf32>,
        %convert_element_type3A_221 = arith.fptosi %get3A_220 : vector<16xf32> to vector<16xi32>
        %get3A_222 = arith.index_cast %mul3A_215 : i32 to index
        %get3A_223 = tpu.vector_load %arg12[%get3A_222] {strides = array<i32>} : memref<9600xf32, #tpu.memory_space<vmem>>, vector<16xf32>,
        %bitcast_convert_type3A_224 = tpu.bitcast %convert_element_type3A_218 : vector<16xi32> -> vector<16xi32>
        %lt3A_225 = arith.constant 200 : i32
        %lt3A_226 = vector.broadcast %lt3A_225 : i32 to vector<16xi32>
        %lt3A_227 = arith.cmpi ult, %bitcast_convert_type3A_224, %lt3A_226 : vector<16xi32>
        %bitcast_convert_type3A_228 = tpu.bitcast %convert_element_type3A_221 : vector<16xi32> -> vector<16xi32>
        %lt3A_229 = arith.constant 48 : i32
        %lt3A_230 = vector.broadcast %lt3A_229 : i32 to vector<16xi32>
        %lt3A_231 = arith.cmpi ult, %bitcast_convert_type3A_228, %lt3A_230 : vector<16xi32>
        %and3A_232 = arith.andi %lt3A_227, %lt3A_231 : vector<16xi1>
        %mul3A_233 = arith.constant 48 : i32
        %mul3A_234 = vector.broadcast %mul3A_233 : i32 to vector<16xi32>
        %mul3A_235 = arith.muli %convert_element_type3A_218, %mul3A_234 : vector<16xi32>
        %add3A_236 = arith.addi %mul3A_235, %convert_element_type3A_221 : vector<16xi32>
        %bitcast_convert_type3A_237 = tpu.bitcast %add3A_236 : vector<16xi32> -> vector<16xi32>
        %min3A_238 = arith.constant 9599 : i32
        %min3A_239 = vector.broadcast %min3A_238 : i32 to vector<16xi32>
        %min3A_240 = arith.minui %bitcast_convert_type3A_237, %min3A_239 : vector<16xi32>
        %bitcast_convert_type3A_241 = tpu.bitcast %min3A_240 : vector<16xi32> -> vector<16xi32>
        %gather3A_242 = tpu.vector_load_idx %arg14[%bitcast_convert_type3A_241] : memref<9600xf32, #tpu.memory_space<vmem>>[vector<16xi32>], vector<16xf32>,
        %gather3A_243 = tpu.vector_load_idx %arg16[%bitcast_convert_type3A_241] : memref<9600xf32, #tpu.memory_space<vmem>>[vector<16xi32>], vector<16xf32>,
        %sub3A_244 = arith.subf %gather3A_242, %get3A_223 : vector<16xf32>
        %abs3A_245 = math.absf %sub3A_244 : vector<16xf32>
        %lt3A_246 = arith.constant 1.000000e+00 : f32
        %lt3A_247 = vector.broadcast %lt3A_246 : f32 to vector<16xf32>
        %lt3A_248 = arith.cmpf olt, %abs3A_245, %lt3A_247 : vector<16xf32>
        %mul3A_249 = arith.constant 5.000000e-01 : f32
        %mul3A_250 = vector.broadcast %mul3A_249 : f32 to vector<16xf32>
        %mul3A_251 = arith.mulf %mul3A_250, %sub3A_244 : vector<16xf32>
        %mul3A_252 = arith.mulf %mul3A_251, %sub3A_244 : vector<16xf32>
        %sub3A_253 = arith.constant 5.000000e-01 : f32
        %sub3A_254 = vector.broadcast %sub3A_253 : f32 to vector<16xf32>
        %sub3A_255 = arith.subf %abs3A_245, %sub3A_254 : vector<16xf32>
        %select_n3A_256 = arith.select %lt3A_248, %mul3A_252, %sub3A_255 : vector<16xi1>, vector<16xf32>
        %jit3A_257 = arith.constant 0.000000e+00 : f32
        %broadcast_in_dim3A_258 = vector.broadcast %jit3A_257 : f32 to vector<16xf32>
        %select_n3A_259 = arith.select %and3A_232, %gather3A_243, %broadcast_in_dim3A_258 : vector<16xi1>, vector<16xf32>
        %mul3A_260 = arith.mulf %select_n3A_256, %select_n3A_259 : vector<16xf32>
        %add3A_261 = arith.addf %scan3A_160, %mul3A_260 : vector<16xf32>
        %add3A_262 = arith.addf %scan3A_161, %select_n3A_259 : vector<16xf32>
        %mul3A_263 = arith.constant 4 : i32
        %mul3A_264 = arith.muli %scan3A_157, %mul3A_263 : i32
        %add3A_265 = arith.constant 2 : i32
        %add3A_266 = arith.addi %mul3A_264, %add3A_265 : i32
        %mul3A_267 = arith.constant 16 : i32
        %mul3A_268 = arith.muli %add3A_266, %mul3A_267 : i32
        %get3A_269 = arith.index_cast %mul3A_268 : i32 to index
        %get3A_270 = tpu.vector_load %arg8[%get3A_269] {strides = array<i32>} : memref<9600xf32, #tpu.memory_space<vmem>>, vector<16xf32>,
        %convert_element_type3A_271 = arith.fptosi %get3A_270 : vector<16xf32> to vector<16xi32>
        %get3A_272 = arith.index_cast %mul3A_268 : i32 to index
        %get3A_273 = tpu.vector_load %arg10[%get3A_272] {strides = array<i32>} : memref<9600xf32, #tpu.memory_space<vmem>>, vector<16xf32>,
        %convert_element_type3A_274 = arith.fptosi %get3A_273 : vector<16xf32> to vector<16xi32>
        %get3A_275 = arith.index_cast %mul3A_268 : i32 to index
        %get3A_276 = tpu.vector_load %arg12[%get3A_275] {strides = array<i32>} : memref<9600xf32, #tpu.memory_space<vmem>>, vector<16xf32>,
        %bitcast_convert_type3A_277 = tpu.bitcast %convert_element_type3A_271 : vector<16xi32> -> vector<16xi32>
        %lt3A_278 = arith.constant 200 : i32
        %lt3A_279 = vector.broadcast %lt3A_278 : i32 to vector<16xi32>
        %lt3A_280 = arith.cmpi ult, %bitcast_convert_type3A_277, %lt3A_279 : vector<16xi32>
        %bitcast_convert_type3A_281 = tpu.bitcast %convert_element_type3A_274 : vector<16xi32> -> vector<16xi32>
        %lt3A_282 = arith.constant 48 : i32
        %lt3A_283 = vector.broadcast %lt3A_282 : i32 to vector<16xi32>
        %lt3A_284 = arith.cmpi ult, %bitcast_convert_type3A_281, %lt3A_283 : vector<16xi32>
        %and3A_285 = arith.andi %lt3A_280, %lt3A_284 : vector<16xi1>
        %mul3A_286 = arith.constant 48 : i32
        %mul3A_287 = vector.broadcast %mul3A_286 : i32 to vector<16xi32>
        %mul3A_288 = arith.muli %convert_element_type3A_271, %mul3A_287 : vector<16xi32>
        %add3A_289 = arith.addi %mul3A_288, %convert_element_type3A_274 : vector<16xi32>
        %bitcast_convert_type3A_290 = tpu.bitcast %add3A_289 : vector<16xi32> -> vector<16xi32>
        %min3A_291 = arith.constant 9599 : i32
        %min3A_292 = vector.broadcast %min3A_291 : i32 to vector<16xi32>
        %min3A_293 = arith.minui %bitcast_convert_type3A_290, %min3A_292 : vector<16xi32>
        %bitcast_convert_type3A_294 = tpu.bitcast %min3A_293 : vector<16xi32> -> vector<16xi32>
        %gather3A_295 = tpu.vector_load_idx %arg14[%bitcast_convert_type3A_294] : memref<9600xf32, #tpu.memory_space<vmem>>[vector<16xi32>], vector<16xf32>,
        %gather3A_296 = tpu.vector_load_idx %arg16[%bitcast_convert_type3A_294] : memref<9600xf32, #tpu.memory_space<vmem>>[vector<16xi32>], vector<16xf32>,
        %sub3A_297 = arith.subf %gather3A_295, %get3A_276 : vector<16xf32>
        %abs3A_298 = math.absf %sub3A_297 : vector<16xf32>
        %lt3A_299 = arith.constant 1.000000e+00 : f32
        %lt3A_300 = vector.broadcast %lt3A_299 : f32 to vector<16xf32>
        %lt3A_301 = arith.cmpf olt, %abs3A_298, %lt3A_300 : vector<16xf32>
        %mul3A_302 = arith.constant 5.000000e-01 : f32
        %mul3A_303 = vector.broadcast %mul3A_302 : f32 to vector<16xf32>
        %mul3A_304 = arith.mulf %mul3A_303, %sub3A_297 : vector<16xf32>
        %mul3A_305 = arith.mulf %mul3A_304, %sub3A_297 : vector<16xf32>
        %sub3A_306 = arith.constant 5.000000e-01 : f32
        %sub3A_307 = vector.broadcast %sub3A_306 : f32 to vector<16xf32>
        %sub3A_308 = arith.subf %abs3A_298, %sub3A_307 : vector<16xf32>
        %select_n3A_309 = arith.select %lt3A_301, %mul3A_305, %sub3A_308 : vector<16xi1>, vector<16xf32>
        %jit3A_310 = arith.constant 0.000000e+00 : f32
        %broadcast_in_dim3A_311 = vector.broadcast %jit3A_310 : f32 to vector<16xf32>
        %select_n3A_312 = arith.select %and3A_285, %gather3A_296, %broadcast_in_dim3A_311 : vector<16xi1>, vector<16xf32>
        %mul3A_313 = arith.mulf %select_n3A_309, %select_n3A_312 : vector<16xf32>
        %add3A_314 = arith.addf %scan3A_162, %mul3A_313 : vector<16xf32>
        %add3A_315 = arith.addf %scan3A_163, %select_n3A_312 : vector<16xf32>
        %mul3A_316 = arith.constant 4 : i32
        %mul3A_317 = arith.muli %scan3A_157, %mul3A_316 : i32
        %add3A_318 = arith.constant 3 : i32
        %add3A_319 = arith.addi %mul3A_317, %add3A_318 : i32
        %mul3A_320 = arith.constant 16 : i32
        %mul3A_321 = arith.muli %add3A_319, %mul3A_320 : i32
        %get3A_322 = arith.index_cast %mul3A_321 : i32 to index
        %get3A_323 = tpu.vector_load %arg8[%get3A_322] {strides = array<i32>} : memref<9600xf32, #tpu.memory_space<vmem>>, vector<16xf32>,
        %convert_element_type3A_324 = arith.fptosi %get3A_323 : vector<16xf32> to vector<16xi32>
        %get3A_325 = arith.index_cast %mul3A_321 : i32 to index
        %get3A_326 = tpu.vector_load %arg10[%get3A_325] {strides = array<i32>} : memref<9600xf32, #tpu.memory_space<vmem>>, vector<16xf32>,
        %convert_element_type3A_327 = arith.fptosi %get3A_326 : vector<16xf32> to vector<16xi32>
        %get3A_328 = arith.index_cast %mul3A_321 : i32 to index
        %get3A_329 = tpu.vector_load %arg12[%get3A_328] {strides = array<i32>} : memref<9600xf32, #tpu.memory_space<vmem>>, vector<16xf32>,
        %bitcast_convert_type3A_330 = tpu.bitcast %convert_element_type3A_324 : vector<16xi32> -> vector<16xi32>
        %lt3A_331 = arith.constant 200 : i32
        %lt3A_332 = vector.broadcast %lt3A_331 : i32 to vector<16xi32>
        %lt3A_333 = arith.cmpi ult, %bitcast_convert_type3A_330, %lt3A_332 : vector<16xi32>
        %bitcast_convert_type3A_334 = tpu.bitcast %convert_element_type3A_327 : vector<16xi32> -> vector<16xi32>
        %lt3A_335 = arith.constant 48 : i32
        %lt3A_336 = vector.broadcast %lt3A_335 : i32 to vector<16xi32>
        %lt3A_337 = arith.cmpi ult, %bitcast_convert_type3A_334, %lt3A_336 : vector<16xi32>
        %and3A_338 = arith.andi %lt3A_333, %lt3A_337 : vector<16xi1>
        %mul3A_339 = arith.constant 48 : i32
        %mul3A_340 = vector.broadcast %mul3A_339 : i32 to vector<16xi32>
        %mul3A_341 = arith.muli %convert_element_type3A_324, %mul3A_340 : vector<16xi32>
        %add3A_342 = arith.addi %mul3A_341, %convert_element_type3A_327 : vector<16xi32>
        %bitcast_convert_type3A_343 = tpu.bitcast %add3A_342 : vector<16xi32> -> vector<16xi32>
        %min3A_344 = arith.constant 9599 : i32
        %min3A_345 = vector.broadcast %min3A_344 : i32 to vector<16xi32>
        %min3A_346 = arith.minui %bitcast_convert_type3A_343, %min3A_345 : vector<16xi32>
        %bitcast_convert_type3A_347 = tpu.bitcast %min3A_346 : vector<16xi32> -> vector<16xi32>
        %gather3A_348 = tpu.vector_load_idx %arg14[%bitcast_convert_type3A_347] : memref<9600xf32, #tpu.memory_space<vmem>>[vector<16xi32>], vector<16xf32>,
        %gather3A_349 = tpu.vector_load_idx %arg16[%bitcast_convert_type3A_347] : memref<9600xf32, #tpu.memory_space<vmem>>[vector<16xi32>], vector<16xf32>,
        %sub3A_350 = arith.subf %gather3A_348, %get3A_329 : vector<16xf32>
        %abs3A_351 = math.absf %sub3A_350 : vector<16xf32>
        %lt3A_352 = arith.constant 1.000000e+00 : f32
        %lt3A_353 = vector.broadcast %lt3A_352 : f32 to vector<16xf32>
        %lt3A_354 = arith.cmpf olt, %abs3A_351, %lt3A_353 : vector<16xf32>
        %mul3A_355 = arith.constant 5.000000e-01 : f32
        %mul3A_356 = vector.broadcast %mul3A_355 : f32 to vector<16xf32>
        %mul3A_357 = arith.mulf %mul3A_356, %sub3A_350 : vector<16xf32>
        %mul3A_358 = arith.mulf %mul3A_357, %sub3A_350 : vector<16xf32>
        %sub3A_359 = arith.constant 5.000000e-01 : f32
        %sub3A_360 = vector.broadcast %sub3A_359 : f32 to vector<16xf32>
        %sub3A_361 = arith.subf %abs3A_351, %sub3A_360 : vector<16xf32>
        %select_n3A_362 = arith.select %lt3A_354, %mul3A_358, %sub3A_361 : vector<16xi1>, vector<16xf32>
        %jit3A_363 = arith.constant 0.000000e+00 : f32
        %broadcast_in_dim3A_364 = vector.broadcast %jit3A_363 : f32 to vector<16xf32>
        %select_n3A_365 = arith.select %and3A_338, %gather3A_349, %broadcast_in_dim3A_364 : vector<16xi1>, vector<16xf32>
        %mul3A_366 = arith.mulf %select_n3A_362, %select_n3A_365 : vector<16xf32>
        %add3A_367 = arith.addf %scan3A_164, %mul3A_366 : vector<16xf32>
        %add3A_368 = arith.addf %scan3A_165, %select_n3A_365 : vector<16xf32>
        %scan3A_369 = arith.constant 1 : i32
        %scan3A_370 = arith.addi %scan3A_157, %scan3A_369 : i32
        %mul3A_371 = arith.constant 4 : i32
        %mul3A_372 = arith.muli %scan3A_370, %mul3A_371 : i32
        %add3A_373 = arith.constant 0 : i32
        %add3A_374 = arith.addi %mul3A_372, %add3A_373 : i32
        %mul3A_375 = arith.constant 16 : i32
        %mul3A_376 = arith.muli %add3A_374, %mul3A_375 : i32
        %get3A_377 = arith.index_cast %mul3A_376 : i32 to index
        %get3A_378 = tpu.vector_load %arg8[%get3A_377] {strides = array<i32>} : memref<9600xf32, #tpu.memory_space<vmem>>, vector<16xf32>,
        %convert_element_type3A_379 = arith.fptosi %get3A_378 : vector<16xf32> to vector<16xi32>
        %get3A_380 = arith.index_cast %mul3A_376 : i32 to index
        %get3A_381 = tpu.vector_load %arg10[%get3A_380] {strides = array<i32>} : memref<9600xf32, #tpu.memory_space<vmem>>, vector<16xf32>,
        %convert_element_type3A_382 = arith.fptosi %get3A_381 : vector<16xf32> to vector<16xi32>
        %get3A_383 = arith.index_cast %mul3A_376 : i32 to index
        %get3A_384 = tpu.vector_load %arg12[%get3A_383] {strides = array<i32>} : memref<9600xf32, #tpu.memory_space<vmem>>, vector<16xf32>,
        %bitcast_convert_type3A_385 = tpu.bitcast %convert_element_type3A_379 : vector<16xi32> -> vector<16xi32>
        %lt3A_386 = arith.constant 200 : i32
        %lt3A_387 = vector.broadcast %lt3A_386 : i32 to vector<16xi32>
        %lt3A_388 = arith.cmpi ult, %bitcast_convert_type3A_385, %lt3A_387 : vector<16xi32>
        %bitcast_convert_type3A_389 = tpu.bitcast %convert_element_type3A_382 : vector<16xi32> -> vector<16xi32>
        %lt3A_390 = arith.constant 48 : i32
        %lt3A_391 = vector.broadcast %lt3A_390 : i32 to vector<16xi32>
        %lt3A_392 = arith.cmpi ult, %bitcast_convert_type3A_389, %lt3A_391 : vector<16xi32>
        %and3A_393 = arith.andi %lt3A_388, %lt3A_392 : vector<16xi1>
        %mul3A_394 = arith.constant 48 : i32
        %mul3A_395 = vector.broadcast %mul3A_394 : i32 to vector<16xi32>
        %mul3A_396 = arith.muli %convert_element_type3A_379, %mul3A_395 : vector<16xi32>
        %add3A_397 = arith.addi %mul3A_396, %convert_element_type3A_382 : vector<16xi32>
        %bitcast_convert_type3A_398 = tpu.bitcast %add3A_397 : vector<16xi32> -> vector<16xi32>
        %min3A_399 = arith.constant 9599 : i32
        %min3A_400 = vector.broadcast %min3A_399 : i32 to vector<16xi32>
        %min3A_401 = arith.minui %bitcast_convert_type3A_398, %min3A_400 : vector<16xi32>
        %bitcast_convert_type3A_402 = tpu.bitcast %min3A_401 : vector<16xi32> -> vector<16xi32>
        %gather3A_403 = tpu.vector_load_idx %arg14[%bitcast_convert_type3A_402] : memref<9600xf32, #tpu.memory_space<vmem>>[vector<16xi32>], vector<16xf32>,
        %gather3A_404 = tpu.vector_load_idx %arg16[%bitcast_convert_type3A_402] : memref<9600xf32, #tpu.memory_space<vmem>>[vector<16xi32>], vector<16xf32>,
        %sub3A_405 = arith.subf %gather3A_403, %get3A_384 : vector<16xf32>
        %abs3A_406 = math.absf %sub3A_405 : vector<16xf32>
        %lt3A_407 = arith.constant 1.000000e+00 : f32
        %lt3A_408 = vector.broadcast %lt3A_407 : f32 to vector<16xf32>
        %lt3A_409 = arith.cmpf olt, %abs3A_406, %lt3A_408 : vector<16xf32>
        %mul3A_410 = arith.constant 5.000000e-01 : f32
        %mul3A_411 = vector.broadcast %mul3A_410 : f32 to vector<16xf32>
        %mul3A_412 = arith.mulf %mul3A_411, %sub3A_405 : vector<16xf32>
        %mul3A_413 = arith.mulf %mul3A_412, %sub3A_405 : vector<16xf32>
        %sub3A_414 = arith.constant 5.000000e-01 : f32
        %sub3A_415 = vector.broadcast %sub3A_414 : f32 to vector<16xf32>
        %sub3A_416 = arith.subf %abs3A_406, %sub3A_415 : vector<16xf32>
        %select_n3A_417 = arith.select %lt3A_409, %mul3A_413, %sub3A_416 : vector<16xi1>, vector<16xf32>
        %jit3A_418 = arith.constant 0.000000e+00 : f32
        %broadcast_in_dim3A_419 = vector.broadcast %jit3A_418 : f32 to vector<16xf32>
        %select_n3A_420 = arith.select %and3A_393, %gather3A_404, %broadcast_in_dim3A_419 : vector<16xi1>, vector<16xf32>
        %mul3A_421 = arith.mulf %select_n3A_417, %select_n3A_420 : vector<16xf32>
        %add3A_422 = arith.addf %add3A_208, %mul3A_421 : vector<16xf32>
        %add3A_423 = arith.addf %add3A_209, %select_n3A_420 : vector<16xf32>
        %mul3A_424 = arith.constant 4 : i32
        %mul3A_425 = arith.muli %scan3A_370, %mul3A_424 : i32
        %add3A_426 = arith.constant 1 : i32
        %add3A_427 = arith.addi %mul3A_425, %add3A_426 : i32
        %mul3A_428 = arith.constant 16 : i32
        %mul3A_429 = arith.muli %add3A_427, %mul3A_428 : i32
        %get3A_430 = arith.index_cast %mul3A_429 : i32 to index
        %get3A_431 = tpu.vector_load %arg8[%get3A_430] {strides = array<i32>} : memref<9600xf32, #tpu.memory_space<vmem>>, vector<16xf32>,
        %convert_element_type3A_432 = arith.fptosi %get3A_431 : vector<16xf32> to vector<16xi32>
        %get3A_433 = arith.index_cast %mul3A_429 : i32 to index
        %get3A_434 = tpu.vector_load %arg10[%get3A_433] {strides = array<i32>} : memref<9600xf32, #tpu.memory_space<vmem>>, vector<16xf32>,
        %convert_element_type3A_435 = arith.fptosi %get3A_434 : vector<16xf32> to vector<16xi32>
        %get3A_436 = arith.index_cast %mul3A_429 : i32 to index
        %get3A_437 = tpu.vector_load %arg12[%get3A_436] {strides = array<i32>} : memref<9600xf32, #tpu.memory_space<vmem>>, vector<16xf32>,
        %bitcast_convert_type3A_438 = tpu.bitcast %convert_element_type3A_432 : vector<16xi32> -> vector<16xi32>
        %lt3A_439 = arith.constant 200 : i32
        %lt3A_440 = vector.broadcast %lt3A_439 : i32 to vector<16xi32>
        %lt3A_441 = arith.cmpi ult, %bitcast_convert_type3A_438, %lt3A_440 : vector<16xi32>
        %bitcast_convert_type3A_442 = tpu.bitcast %convert_element_type3A_435 : vector<16xi32> -> vector<16xi32>
        %lt3A_443 = arith.constant 48 : i32
        %lt3A_444 = vector.broadcast %lt3A_443 : i32 to vector<16xi32>
        %lt3A_445 = arith.cmpi ult, %bitcast_convert_type3A_442, %lt3A_444 : vector<16xi32>
        %and3A_446 = arith.andi %lt3A_441, %lt3A_445 : vector<16xi1>
        %mul3A_447 = arith.constant 48 : i32
        %mul3A_448 = vector.broadcast %mul3A_447 : i32 to vector<16xi32>
        %mul3A_449 = arith.muli %convert_element_type3A_432, %mul3A_448 : vector<16xi32>
        %add3A_450 = arith.addi %mul3A_449, %convert_element_type3A_435 : vector<16xi32>
        %bitcast_convert_type3A_451 = tpu.bitcast %add3A_450 : vector<16xi32> -> vector<16xi32>
        %min3A_452 = arith.constant 9599 : i32
        %min3A_453 = vector.broadcast %min3A_452 : i32 to vector<16xi32>
        %min3A_454 = arith.minui %bitcast_convert_type3A_451, %min3A_453 : vector<16xi32>
        %bitcast_convert_type3A_455 = tpu.bitcast %min3A_454 : vector<16xi32> -> vector<16xi32>
        %gather3A_456 = tpu.vector_load_idx %arg14[%bitcast_convert_type3A_455] : memref<9600xf32, #tpu.memory_space<vmem>>[vector<16xi32>], vector<16xf32>,
        %gather3A_457 = tpu.vector_load_idx %arg16[%bitcast_convert_type3A_455] : memref<9600xf32, #tpu.memory_space<vmem>>[vector<16xi32>], vector<16xf32>,
        %sub3A_458 = arith.subf %gather3A_456, %get3A_437 : vector<16xf32>
        %abs3A_459 = math.absf %sub3A_458 : vector<16xf32>
        %lt3A_460 = arith.constant 1.000000e+00 : f32
        %lt3A_461 = vector.broadcast %lt3A_460 : f32 to vector<16xf32>
        %lt3A_462 = arith.cmpf olt, %abs3A_459, %lt3A_461 : vector<16xf32>
        %mul3A_463 = arith.constant 5.000000e-01 : f32
        %mul3A_464 = vector.broadcast %mul3A_463 : f32 to vector<16xf32>
        %mul3A_465 = arith.mulf %mul3A_464, %sub3A_458 : vector<16xf32>
        %mul3A_466 = arith.mulf %mul3A_465, %sub3A_458 : vector<16xf32>
        %sub3A_467 = arith.constant 5.000000e-01 : f32
        %sub3A_468 = vector.broadcast %sub3A_467 : f32 to vector<16xf32>
        %sub3A_469 = arith.subf %abs3A_459, %sub3A_468 : vector<16xf32>
        %select_n3A_470 = arith.select %lt3A_462, %mul3A_466, %sub3A_469 : vector<16xi1>, vector<16xf32>
        %jit3A_471 = arith.constant 0.000000e+00 : f32
        %broadcast_in_dim3A_472 = vector.broadcast %jit3A_471 : f32 to vector<16xf32>
        %select_n3A_473 = arith.select %and3A_446, %gather3A_457, %broadcast_in_dim3A_472 : vector<16xi1>, vector<16xf32>
        %mul3A_474 = arith.mulf %select_n3A_470, %select_n3A_473 : vector<16xf32>
        %add3A_475 = arith.addf %add3A_261, %mul3A_474 : vector<16xf32>
        %add3A_476 = arith.addf %add3A_262, %select_n3A_473 : vector<16xf32>
        %mul3A_477 = arith.constant 4 : i32
        %mul3A_478 = arith.muli %scan3A_370, %mul3A_477 : i32
        %add3A_479 = arith.constant 2 : i32
        %add3A_480 = arith.addi %mul3A_478, %add3A_479 : i32
        %mul3A_481 = arith.constant 16 : i32
        %mul3A_482 = arith.muli %add3A_480, %mul3A_481 : i32
        %get3A_483 = arith.index_cast %mul3A_482 : i32 to index
        %get3A_484 = tpu.vector_load %arg8[%get3A_483] {strides = array<i32>} : memref<9600xf32, #tpu.memory_space<vmem>>, vector<16xf32>,
        %convert_element_type3A_485 = arith.fptosi %get3A_484 : vector<16xf32> to vector<16xi32>
        %get3A_486 = arith.index_cast %mul3A_482 : i32 to index
        %get3A_487 = tpu.vector_load %arg10[%get3A_486] {strides = array<i32>} : memref<9600xf32, #tpu.memory_space<vmem>>, vector<16xf32>,
        %convert_element_type3A_488 = arith.fptosi %get3A_487 : vector<16xf32> to vector<16xi32>
        %get3A_489 = arith.index_cast %mul3A_482 : i32 to index
        %get3A_490 = tpu.vector_load %arg12[%get3A_489] {strides = array<i32>} : memref<9600xf32, #tpu.memory_space<vmem>>, vector<16xf32>,
        %bitcast_convert_type3A_491 = tpu.bitcast %convert_element_type3A_485 : vector<16xi32> -> vector<16xi32>
        %lt3A_492 = arith.constant 200 : i32
        %lt3A_493 = vector.broadcast %lt3A_492 : i32 to vector<16xi32>
        %lt3A_494 = arith.cmpi ult, %bitcast_convert_type3A_491, %lt3A_493 : vector<16xi32>
        %bitcast_convert_type3A_495 = tpu.bitcast %convert_element_type3A_488 : vector<16xi32> -> vector<16xi32>
        %lt3A_496 = arith.constant 48 : i32
        %lt3A_497 = vector.broadcast %lt3A_496 : i32 to vector<16xi32>
        %lt3A_498 = arith.cmpi ult, %bitcast_convert_type3A_495, %lt3A_497 : vector<16xi32>
        %and3A_499 = arith.andi %lt3A_494, %lt3A_498 : vector<16xi1>
        %mul3A_500 = arith.constant 48 : i32
        %mul3A_501 = vector.broadcast %mul3A_500 : i32 to vector<16xi32>
        %mul3A_502 = arith.muli %convert_element_type3A_485, %mul3A_501 : vector<16xi32>
        %add3A_503 = arith.addi %mul3A_502, %convert_element_type3A_488 : vector<16xi32>
        %bitcast_convert_type3A_504 = tpu.bitcast %add3A_503 : vector<16xi32> -> vector<16xi32>
        %min3A_505 = arith.constant 9599 : i32
        %min3A_506 = vector.broadcast %min3A_505 : i32 to vector<16xi32>
        %min3A_507 = arith.minui %bitcast_convert_type3A_504, %min3A_506 : vector<16xi32>
        %bitcast_convert_type3A_508 = tpu.bitcast %min3A_507 : vector<16xi32> -> vector<16xi32>
        %gather3A_509 = tpu.vector_load_idx %arg14[%bitcast_convert_type3A_508] : memref<9600xf32, #tpu.memory_space<vmem>>[vector<16xi32>], vector<16xf32>,
        %gather3A_510 = tpu.vector_load_idx %arg16[%bitcast_convert_type3A_508] : memref<9600xf32, #tpu.memory_space<vmem>>[vector<16xi32>], vector<16xf32>,
        %sub3A_511 = arith.subf %gather3A_509, %get3A_490 : vector<16xf32>
        %abs3A_512 = math.absf %sub3A_511 : vector<16xf32>
        %lt3A_513 = arith.constant 1.000000e+00 : f32
        %lt3A_514 = vector.broadcast %lt3A_513 : f32 to vector<16xf32>
        %lt3A_515 = arith.cmpf olt, %abs3A_512, %lt3A_514 : vector<16xf32>
        %mul3A_516 = arith.constant 5.000000e-01 : f32
        %mul3A_517 = vector.broadcast %mul3A_516 : f32 to vector<16xf32>
        %mul3A_518 = arith.mulf %mul3A_517, %sub3A_511 : vector<16xf32>
        %mul3A_519 = arith.mulf %mul3A_518, %sub3A_511 : vector<16xf32>
        %sub3A_520 = arith.constant 5.000000e-01 : f32
        %sub3A_521 = vector.broadcast %sub3A_520 : f32 to vector<16xf32>
        %sub3A_522 = arith.subf %abs3A_512, %sub3A_521 : vector<16xf32>
        %select_n3A_523 = arith.select %lt3A_515, %mul3A_519, %sub3A_522 : vector<16xi1>, vector<16xf32>
        %jit3A_524 = arith.constant 0.000000e+00 : f32
        %broadcast_in_dim3A_525 = vector.broadcast %jit3A_524 : f32 to vector<16xf32>
        %select_n3A_526 = arith.select %and3A_499, %gather3A_510, %broadcast_in_dim3A_525 : vector<16xi1>, vector<16xf32>
        %mul3A_527 = arith.mulf %select_n3A_523, %select_n3A_526 : vector<16xf32>
        %add3A_528 = arith.addf %add3A_314, %mul3A_527 : vector<16xf32>
        %add3A_529 = arith.addf %add3A_315, %select_n3A_526 : vector<16xf32>
        %mul3A_530 = arith.constant 4 : i32
        %mul3A_531 = arith.muli %scan3A_370, %mul3A_530 : i32
        %add3A_532 = arith.constant 3 : i32
        %add3A_533 = arith.addi %mul3A_531, %add3A_532 : i32
        %mul3A_534 = arith.constant 16 : i32
        %mul3A_535 = arith.muli %add3A_533, %mul3A_534 : i32
        %get3A_536 = arith.index_cast %mul3A_535 : i32 to index
        %get3A_537 = tpu.vector_load %arg8[%get3A_536] {strides = array<i32>} : memref<9600xf32, #tpu.memory_space<vmem>>, vector<16xf32>,
        %convert_element_type3A_538 = arith.fptosi %get3A_537 : vector<16xf32> to vector<16xi32>
        %get3A_539 = arith.index_cast %mul3A_535 : i32 to index
        %get3A_540 = tpu.vector_load %arg10[%get3A_539] {strides = array<i32>} : memref<9600xf32, #tpu.memory_space<vmem>>, vector<16xf32>,
        %convert_element_type3A_541 = arith.fptosi %get3A_540 : vector<16xf32> to vector<16xi32>
        %get3A_542 = arith.index_cast %mul3A_535 : i32 to index
        %get3A_543 = tpu.vector_load %arg12[%get3A_542] {strides = array<i32>} : memref<9600xf32, #tpu.memory_space<vmem>>, vector<16xf32>,
        %bitcast_convert_type3A_544 = tpu.bitcast %convert_element_type3A_538 : vector<16xi32> -> vector<16xi32>
        %lt3A_545 = arith.constant 200 : i32
        %lt3A_546 = vector.broadcast %lt3A_545 : i32 to vector<16xi32>
        %lt3A_547 = arith.cmpi ult, %bitcast_convert_type3A_544, %lt3A_546 : vector<16xi32>
        %bitcast_convert_type3A_548 = tpu.bitcast %convert_element_type3A_541 : vector<16xi32> -> vector<16xi32>
        %lt3A_549 = arith.constant 48 : i32
        %lt3A_550 = vector.broadcast %lt3A_549 : i32 to vector<16xi32>
        %lt3A_551 = arith.cmpi ult, %bitcast_convert_type3A_548, %lt3A_550 : vector<16xi32>
        %and3A_552 = arith.andi %lt3A_547, %lt3A_551 : vector<16xi1>
        %mul3A_553 = arith.constant 48 : i32
        %mul3A_554 = vector.broadcast %mul3A_553 : i32 to vector<16xi32>
        %mul3A_555 = arith.muli %convert_element_type3A_538, %mul3A_554 : vector<16xi32>
        %add3A_556 = arith.addi %mul3A_555, %convert_element_type3A_541 : vector<16xi32>
        %bitcast_convert_type3A_557 = tpu.bitcast %add3A_556 : vector<16xi32> -> vector<16xi32>
        %min3A_558 = arith.constant 9599 : i32
        %min3A_559 = vector.broadcast %min3A_558 : i32 to vector<16xi32>
        %min3A_560 = arith.minui %bitcast_convert_type3A_557, %min3A_559 : vector<16xi32>
        %bitcast_convert_type3A_561 = tpu.bitcast %min3A_560 : vector<16xi32> -> vector<16xi32>
        %gather3A_562 = tpu.vector_load_idx %arg14[%bitcast_convert_type3A_561] : memref<9600xf32, #tpu.memory_space<vmem>>[vector<16xi32>], vector<16xf32>,
        %gather3A_563 = tpu.vector_load_idx %arg16[%bitcast_convert_type3A_561] : memref<9600xf32, #tpu.memory_space<vmem>>[vector<16xi32>], vector<16xf32>,
        %sub3A_564 = arith.subf %gather3A_562, %get3A_543 : vector<16xf32>
        %abs3A_565 = math.absf %sub3A_564 : vector<16xf32>
        %lt3A_566 = arith.constant 1.000000e+00 : f32
        %lt3A_567 = vector.broadcast %lt3A_566 : f32 to vector<16xf32>
        %lt3A_568 = arith.cmpf olt, %abs3A_565, %lt3A_567 : vector<16xf32>
        %mul3A_569 = arith.constant 5.000000e-01 : f32
        %mul3A_570 = vector.broadcast %mul3A_569 : f32 to vector<16xf32>
        %mul3A_571 = arith.mulf %mul3A_570, %sub3A_564 : vector<16xf32>
        %mul3A_572 = arith.mulf %mul3A_571, %sub3A_564 : vector<16xf32>
        %sub3A_573 = arith.constant 5.000000e-01 : f32
        %sub3A_574 = vector.broadcast %sub3A_573 : f32 to vector<16xf32>
        %sub3A_575 = arith.subf %abs3A_565, %sub3A_574 : vector<16xf32>
        %select_n3A_576 = arith.select %lt3A_568, %mul3A_572, %sub3A_575 : vector<16xi1>, vector<16xf32>
        %jit3A_577 = arith.constant 0.000000e+00 : f32
        %broadcast_in_dim3A_578 = vector.broadcast %jit3A_577 : f32 to vector<16xf32>
        %select_n3A_579 = arith.select %and3A_552, %gather3A_563, %broadcast_in_dim3A_578 : vector<16xi1>, vector<16xf32>
        %mul3A_580 = arith.mulf %select_n3A_576, %select_n3A_579 : vector<16xf32>
        %add3A_581 = arith.addf %add3A_367, %mul3A_580 : vector<16xf32>
        %add3A_582 = arith.addf %add3A_368, %select_n3A_579 : vector<16xf32>
        scf.yield %add3A_422, %add3A_423, %add3A_475, %add3A_476, %add3A_528, %add3A_529, %add3A_581, %add3A_582 : vector<16xf32>, vector<16xf32>, vector<16xf32>, vector<16xf32>, vector<16xf32>, vector<16xf32>, vector<16xf32>, vector<16xf32>
      }
      %scan3A_156 = arith.constant 150 : i32
      scf.yield %scan3A_155#0, %scan3A_155#1, %scan3A_155#2, %scan3A_155#3, %scan3A_155#4, %scan3A_155#5, %scan3A_155#6, %scan3A_155#7 : vector<16xf32>, vector<16xf32>, vector<16xf32>, vector<16xf32>, vector<16xf32>, vector<16xf32>, vector<16xf32>, vector<16xf32>
    }
    %scan3A_40 = arith.constant 16 : i32
    %add3A_41 = arith.addf %scan3A_39#0, %scan3A_39#2 : vector<16xf32>
    %add3A_42 = arith.addf %scan3A_39#4, %scan3A_39#6 : vector<16xf32>
    %add3A_43 = arith.addf %add3A_41, %add3A_42 : vector<16xf32>
    %add3A_44 = arith.addf %scan3A_39#1, %scan3A_39#3 : vector<16xf32>
    %add3A_45 = arith.addf %scan3A_39#5, %scan3A_39#7 : vector<16xf32>
    %add3A_46 = arith.addf %add3A_44, %add3A_45 : vector<16xf32>
    %swap3A = arith.constant 0 : index
    %swap3A_47 = tpu.vector_load %arg17[%swap3A] {strides = array<i32>} : memref<16xf32, #tpu.memory_space<vmem>>, vector<16xf32>,
    tpu.vector_store %arg17[%swap3A], %add3A_43 {strides = array<i32>} : memref<16xf32, #tpu.memory_space<vmem>>, vector<16xf32>,
    %swap3A_48 = arith.constant 0 : index
    %swap3A_49 = tpu.vector_load %arg18[%swap3A_48] {strides = array<i32>} : memref<16xf32, #tpu.memory_space<vmem>>, vector<16xf32>,
    tpu.vector_store %arg18[%swap3A_48], %add3A_46 {strides = array<i32>} : memref<16xf32, #tpu.memory_space<vmem>>, vector<16xf32>,
    "tpu.region"() ({
      %run_scoped3A = tpu.sem_alloc : memref<!tpu.dma_semaphore, #tpu.memory_space<semaphore_mem>>
      %dma_start3A_50 = arith.constant 0 : i32
      %dma_start3A_51 = tpu.memref_slice %arg5[%add3A, %dma_start3A_50] : memref<32x16xf32, #tpu.memory_space<hbm>> -> memref<1x16xf32, #tpu.memory_space<hbm>>
      %dma_start3A_52 = tpu.memref_squeeze %dma_start3A_51 : memref<1x16xf32, #tpu.memory_space<hbm>> -> memref<16xf32, #tpu.memory_space<hbm>>
      %dma_start3A_53 = arith.constant 0 : i32
      %dma_start3A_54 = tpu.memref_slice %arg5[%add3A, %dma_start3A_53] : memref<32x16xf32, #tpu.memory_space<hbm>> -> memref<1x16xf32, #tpu.memory_space<hbm>>
      %dma_start3A_55 = tpu.memref_squeeze %dma_start3A_54 : memref<1x16xf32, #tpu.memory_space<hbm>> -> memref<16xf32, #tpu.memory_space<hbm>>
      tpu.enqueue_dma source(%arg17 : memref<16xf32, #tpu.memory_space<vmem>>) target(%dma_start3A_55 : memref<16xf32, #tpu.memory_space<hbm>>) target_semaphore(%run_scoped3A : memref<!tpu.dma_semaphore, #tpu.memory_space<semaphore_mem>>)
      %dma_wait3A = arith.constant 0 : i32
      %dma_wait3A_56 = tpu.memref_slice %arg5[%add3A, %dma_wait3A] : memref<32x16xf32, #tpu.memory_space<hbm>> -> memref<1x16xf32, #tpu.memory_space<hbm>>
      %dma_wait3A_57 = tpu.memref_squeeze %dma_wait3A_56 : memref<1x16xf32, #tpu.memory_space<hbm>> -> memref<16xf32, #tpu.memory_space<hbm>>
      %dma_wait3A_58 = arith.constant 0 : i32
      %dma_wait3A_59 = tpu.memref_slice %arg5[%add3A, %dma_wait3A_58] : memref<32x16xf32, #tpu.memory_space<hbm>> -> memref<1x16xf32, #tpu.memory_space<hbm>>
      %dma_wait3A_60 = tpu.memref_squeeze %dma_wait3A_59 : memref<1x16xf32, #tpu.memory_space<hbm>> -> memref<16xf32, #tpu.memory_space<hbm>>
      tpu.wait_dma2 semaphore(%run_scoped3A : memref<!tpu.dma_semaphore, #tpu.memory_space<semaphore_mem>>) src(%arg17 : memref<16xf32, #tpu.memory_space<vmem>>) dst(%dma_wait3A_60 : memref<16xf32, #tpu.memory_space<hbm>>)
      tpu.yield
    }) : () -> ()
    "tpu.region"() ({
      %run_scoped3A = tpu.sem_alloc : memref<!tpu.dma_semaphore, #tpu.memory_space<semaphore_mem>>
      %dma_start3A_50 = arith.constant 0 : i32
      %dma_start3A_51 = tpu.memref_slice %arg6[%add3A, %dma_start3A_50] : memref<32x16xf32, #tpu.memory_space<hbm>> -> memref<1x16xf32, #tpu.memory_space<hbm>>
      %dma_start3A_52 = tpu.memref_squeeze %dma_start3A_51 : memref<1x16xf32, #tpu.memory_space<hbm>> -> memref<16xf32, #tpu.memory_space<hbm>>
      %dma_start3A_53 = arith.constant 0 : i32
      %dma_start3A_54 = tpu.memref_slice %arg6[%add3A, %dma_start3A_53] : memref<32x16xf32, #tpu.memory_space<hbm>> -> memref<1x16xf32, #tpu.memory_space<hbm>>
      %dma_start3A_55 = tpu.memref_squeeze %dma_start3A_54 : memref<1x16xf32, #tpu.memory_space<hbm>> -> memref<16xf32, #tpu.memory_space<hbm>>
      tpu.enqueue_dma source(%arg18 : memref<16xf32, #tpu.memory_space<vmem>>) target(%dma_start3A_55 : memref<16xf32, #tpu.memory_space<hbm>>) target_semaphore(%run_scoped3A : memref<!tpu.dma_semaphore, #tpu.memory_space<semaphore_mem>>)
      %dma_wait3A = arith.constant 0 : i32
      %dma_wait3A_56 = tpu.memref_slice %arg6[%add3A, %dma_wait3A] : memref<32x16xf32, #tpu.memory_space<hbm>> -> memref<1x16xf32, #tpu.memory_space<hbm>>
      %dma_wait3A_57 = tpu.memref_squeeze %dma_wait3A_56 : memref<1x16xf32, #tpu.memory_space<hbm>> -> memref<16xf32, #tpu.memory_space<hbm>>
      %dma_wait3A_58 = arith.constant 0 : i32
      %dma_wait3A_59 = tpu.memref_slice %arg6[%add3A, %dma_wait3A_58] : memref<32x16xf32, #tpu.memory_space<hbm>> -> memref<1x16xf32, #tpu.memory_space<hbm>>
      %dma_wait3A_60 = tpu.memref_squeeze %dma_wait3A_59 : memref<1x16xf32, #tpu.memory_space<hbm>> -> memref<16xf32, #tpu.memory_space<hbm>>
      tpu.wait_dma2 semaphore(%run_scoped3A : memref<!tpu.dma_semaphore, #tpu.memory_space<semaphore_mem>>) src(%arg18 : memref<16xf32, #tpu.memory_space<vmem>>) dst(%dma_wait3A_60 : memref<16xf32, #tpu.memory_space<hbm>>)
      tpu.yield
    }) : () -> ()
    return
  }
}

module attributes {stable_mosaic.version = 14 : i64} {
  func.func @_finish(%arg0: memref<32x16xf32, #tpu.memory_space<vmem>>, %arg1: memref<32x16xf32, #tpu.memory_space<vmem>>, %arg2: memref<1x1xf32, #tpu.memory_space<vmem>>) attributes {dimension_semantics = [], scalar_prefetch = 0 : i64, scratch_operands = 0 : i64, tpu.core_type = #tpu.core_type<tc>} {
    %get3A = arith.constant 0 : index
    %get3A_0 = arith.constant 0 : index
    %get3A_1 = vector.load %arg0[%get3A, %get3A_0] : memref<32x16xf32, #tpu.memory_space<vmem>>, vector<32x16xf32>
    %reduce_sum3A = vector.shape_cast %get3A_1 : vector<32x16xf32> to vector<1x32x16xf32>
    %reduce_sum3A_2 = arith.constant dense<0.000000e+00> : vector<1xf32>
    %reduce_sum3A_3 = vector.multi_reduction <add>, %reduce_sum3A, %reduce_sum3A_2 [1, 2] : vector<1x32x16xf32> to vector<1xf32>
    %reduce_sum3A_4 = vector.shape_cast %reduce_sum3A_3 : vector<1xf32> to vector<1x1x1xf32>
    %reduce_sum3A_5 = vector.extract %reduce_sum3A_4[0, 0, 0] : f32 from vector<1x1x1xf32>
    %get3A_6 = arith.constant 0 : index
    %get3A_7 = arith.constant 0 : index
    %get3A_8 = vector.load %arg1[%get3A_6, %get3A_7] : memref<32x16xf32, #tpu.memory_space<vmem>>, vector<32x16xf32>
    %reduce_sum3A_9 = vector.shape_cast %get3A_8 : vector<32x16xf32> to vector<1x32x16xf32>
    %reduce_sum3A_10 = arith.constant dense<0.000000e+00> : vector<1xf32>
    %reduce_sum3A_11 = vector.multi_reduction <add>, %reduce_sum3A_9, %reduce_sum3A_10 [1, 2] : vector<1x32x16xf32> to vector<1xf32>
    %reduce_sum3A_12 = vector.shape_cast %reduce_sum3A_11 : vector<1xf32> to vector<1x1x1xf32>
    %reduce_sum3A_13 = vector.extract %reduce_sum3A_12[0, 0, 0] : f32 from vector<1x1x1xf32>
    %add3A = arith.constant 9.99999997E-7 : f32
    %add3A_14 = arith.addf %reduce_sum3A_13, %add3A : f32
    %div3A = arith.divf %reduce_sum3A_5, %add3A_14 : f32
    %reshape3A = vector.broadcast %div3A : f32 to vector<1x1xf32>
    %swap3A = arith.constant 0 : index
    %swap3A_15 = arith.constant 0 : index
    %swap3A_16 = vector.load %arg2[%swap3A, %swap3A_15] : memref<1x1xf32, #tpu.memory_space<vmem>>, vector<1x1xf32>
    tpu.vector_store %arg2[%swap3A, %swap3A_15], %reshape3A {strides = array<i32>} : memref<1x1xf32, #tpu.memory_space<vmem>>, vector<1x1xf32>,
    return
  }
}

</mosaic_0001>

<sc_bundles>
// kernel: kernel.4.cloned.1.call-start
scs
__scs_entry_jumppad:
0x0: {  	(pc) =	sbr.rel $0x88, $3  }
0x1: {  	(tag) =	ssettag $0x0;
	lr =	simm.s32 $0x1  }
0x2: {  	[smem:$0x3F9E] =	sst lr;
	_ =	strace $0xD0000000  }
0x3: {  	_ = 	snop  }
0x4: {  	_ = 	snop  }
0x5: {  	_ = 	snop  }
0x6: {  	_ = 	snop  }
0x7: {  	_ = 	snop  }
__scs_overlays_trampoline_lowered:
0x8: {  	[smem:$0x3FAD] =	sst s0  }
0x9: {  	[smem:$0x3FAE] =	sst s1  }
0xa: {  	[smem:$0x3FAF] =	sst s2  }
0xb: {  	[smem:$0x3FB0] =	sst s3  }
0xc: {  	[smem:$0x3FB1] =	sst s4  }
0xd: {  	[smem:$0x3FB2] =	sst s5  }
0xe: {  	[smem:$0x3FB3] =	sst s6  }
0xf: {  	[smem:$0x3FB4] =	sst s7  }
0x10: {  	[smem:$0x3FB5] =	sst s8  }
0x11: {  	[smem:$0x3FB6] =	sst s9;
	s0 =	simm.s32 @!p0 $0x0  }
0x12: {  	s1 =	sld [smem:$0x3F9C];
	s0 =	simm.s32 @p0 $0x1  }
0x13: {  	[smem:$0x3FB7] =	sst s0;
	s0 =	simm.s32 @!p1 $0x0  }
0x14: {  	s2 =	sld [smem:$0x3F9B];
	s0 =	simm.s32 @p1 $0x1  }
0x15: {  	[smem:$0x3FB8] =	sst s0;
	s0 =	simm.s32 @!p2 $0x0  }
0x16: {  	s3 =	sld [smem:$0x3FDB];
	s0 =	simm.s32 @p2 $0x1  }
0x17: {  	s4 =	simm.s32 $0x1BF5;
	[smem:$0x3FBA] =	sst s0  }
0x18: {  	s0 =	sld [smem:$0x3F9D];
	_ =	swait.ge [sflag:s4], $0x0  }
0x19: {  	s7 =	sld [smem:$0x3F9E]  }
0x1a: {  	s8 =	sadd.s32 $0xFFFFE003, lr  }
0x1b: {  	s9 =	sadd.s32 $0xFFFFFEF7, lr;
	s5 =	simm.s32 $0xFFFFFFFF;
	p2 =	slt.u32 s8, $0xFFFFF086  }
0x1c: {  	p1 =	slt.u32 s9, $0xF7A;
	s5 =	simm.s32 @!p2 $0x0  }
0x1d: {  	s5 =	simm.s32 @p1 $0x1;
	p0 =	seq.s32 s7, s2  }
0x1e: {  	s7 =	smul.u32 @!p0 $0xF7A, s2;
	p2 =	seq.s32 @!p0 s5, $0x0  }
0x1f: {  	s9 =	smul.u32 $0xF7A, s1;
	s8 =	simm.s32 @!p0 $0x1BF5;
	p2 =	por !p2, p0  }
0x20: {  	[sflag:s8] =	ssyncset.s32 @!p0 $0xFFFFF086;
	s6 =	sadd.s32 @!p0 s3, s7;
	s7 =	simm.s32 @!p0 $0x108  }
0x21: {  	s3 =	sadd.s32 s3, s9;
	s6 =	sadd.s32 @!p0 $0x88, s6;
	s7 =	simm.s32 @p2 $0x1082  }
0x22: {  	[simem:s7], [sflag:s8] =	dma.local @!p0 [hbm:s6], $0xF7A  }
0x23: {  	s9 =	sor.u32 $0xD0000000, s2;
	s6 =	simm.s32 $0x108;
	_ =	swait.ge @!p0 [sflag:s8], $0x0  }
0x24: {  	s3 =	sadd.s32 $0x88, s3;
	s6 =	simm.s32 @!p1 $0x1082;
	[sflag:s4] =	ssyncset.s32 $0xFFFFF086  }
0x25: {  	[simem:s6], [sflag:s4] =	dma.local [hbm:s3], $0xF7A  }
0x26: {  	[smem:$0x3F9E] =	sst s1;
	(tag) =	ssettag s2;
	_ =	strace s9  }
0x27: {  	s1 =	sld [smem:$0x3FAE]  }
0x28: {  	s2 =	sld [smem:$0x3FAF]  }
0x29: {  	s4 =	sld [smem:$0x3FB1]  }
0x2a: {  	p0 =	seq.s32 s5, $0x0;
	s5 =	sld [smem:$0x3FB2]  }
0x2b: {  	s6 =	sld [smem:$0x3FB3]  }
0x2c: {  	s7 =	sld [smem:$0x3FB4]  }
0x2d: {  	s3 =	simm.s32 $0x108;
	s8 =	sld [smem:$0x3FB5]  }
0x2e: {  	s3 =	simm.s32 @!p0 $0x1082;
	s9 =	sld [smem:$0x3FB6]  }
0x2f: {  	lr =	sadd.s32 s0, s3;
	s0 =	sld [smem:$0x3FAD]  }
0x30: {  	s3 =	sld [smem:$0x3FB0]  }
0x31: {  	[smem:$0x3FB9] =	sst s10  }
0x32: {  	s10 =	sld [smem:$0x3FB7];
	_ =	sdelay $0x3  }
0x33: {  	p0 =	seq.s32 s10, $0x1;
	s10 =	sld [smem:$0x3FB9];
	_ =	sdelay $0x3  }
0x34: {  	[smem:$0x3FB9] =	sst s10  }
0x35: {  	s10 =	sld [smem:$0x3FB8];
	_ =	sdelay $0x3  }
0x36: {  	p1 =	seq.s32 s10, $0x1;
	s10 =	sld [smem:$0x3FB9];
	_ =	sdelay $0x3  }
0x37: {  	[smem:$0x3FB9] =	sst s10  }
0x38: {  	s10 =	sld [smem:$0x3FBA]  }
0x39: {  	_ = 	snop;
	(pc) =	sbr.ind lr, $3  }
0x3a: {  	_ = 	snop  }
0x3b: {  	_ = 	snop  }
0x3c: {  	p2 =	seq.s32 s10, $0x1;
	s10 =	sld [smem:$0x3FB9]  }
0x3d: {  	_ =	shalt  }
0x3e: {  	_ =	shalt  }
0x3f: {  	_ =	shalt  }
0x40: {  	_ =	shalt  }
0x41: {  	_ =	shalt  }
0x42: {  	_ =	shalt  }
0x43: {  	_ =	shalt  }
0x44: {  	_ =	shalt  }
0x45: {  	_ =	shalt  }
0x46: {  	_ =	shalt  }
0x47: {  	_ =	shalt  }
0x48: {  	_ =	shalt  }
0x49: {  	_ =	shalt  }
0x4a: {  	_ =	shalt  }
0x4b: {  	_ =	shalt  }
0x4c: {  	_ =	shalt  }
0x4d: {  	_ =	shalt  }
0x4e: {  	_ =	shalt  }
0x4f: {  	_ =	shalt  }
0x50: {  	_ =	shalt  }
0x51: {  	_ =	shalt  }
0x52: {  	_ =	shalt  }
0x53: {  	_ =	shalt  }
0x54: {  	_ =	shalt  }
0x55: {  	_ =	shalt  }
0x56: {  	_ =	shalt  }
0x57: {  	_ =	shalt  }
0x58: {  	_ =	shalt  }
0x59: {  	_ =	shalt  }
0x5a: {  	_ =	shalt  }
0x5b: {  	_ =	shalt  }
0x5c: {  	_ =	shalt  }
0x5d: {  	_ =	shalt  }
0x5e: {  	_ =	shalt  }
0x5f: {  	_ =	shalt  }
0x60: {  	_ =	shalt  }
0x61: {  	_ =	shalt  }
0x62: {  	_ =	shalt  }
0x63: {  	_ =	shalt  }
0x64: {  	_ =	shalt  }
0x65: {  	_ =	shalt  }
0x66: {  	_ =	shalt  }
0x67: {  	_ =	shalt  }
0x68: {  	_ =	shalt  }
0x69: {  	_ =	shalt  }
0x6a: {  	_ =	shalt  }
0x6b: {  	_ =	shalt  }
0x6c: {  	_ =	shalt  }
0x6d: {  	_ =	shalt  }
0x6e: {  	_ =	shalt  }
0x6f: {  	_ =	shalt  }
0x70: {  	_ =	shalt  }
0x71: {  	_ =	shalt  }
0x72: {  	_ =	shalt  }
0x73: {  	_ =	shalt  }
0x74: {  	_ =	shalt  }
0x75: {  	_ =	shalt  }
0x76: {  	_ =	shalt  }
0x77: {  	_ =	shalt  }
0x78: {  	_ =	shalt  }
0x79: {  	_ =	shalt  }
0x7a: {  	_ =	shalt  }
0x7b: {  	_ =	shalt  }
0x7c: {  	_ =	shalt  }
0x7d: {  	_ =	shalt  }
0x7e: {  	_ =	shalt  }
0x7f: {  	_ =	shalt  }
0x80: {  	_ =	shalt  }
0x81: {  	_ =	shalt  }
0x82: {  	_ =	shalt  }
0x83: {  	_ =	shalt  }
0x84: {  	_ =	shalt  }
0x85: {  	_ =	shalt  }
0x86: {  	_ =	shalt  }
0x87: {  	_ =	shalt  }
.Lfunc_end0:
.L_simem_size_0:
called_computation_lowered:
.L_overlay_start_0:
0x88: {  	s2 =	sld [smem:$0x3FD9]  }
0x89: {  	s3 =	sld [smem:$0x3FFE];
	_ =	sdelay $0x1  }
0x8a: {  	s1 =	srdreg.scid  }
0x8b: {  	s0 =	sand.u32 $0x1, s1  }
0x8c: {  	s16 =	sshll.u32 s0, $0xA;
	s2 =	sadd.s32 s3, s2  }
0x8d: {  	s2 =	sadd.s32 s2, s16  }
0x8e: {  	[smem:$0x3FC5] =	sst s2  }
0x8f: {  	_ = 	snop  }
0x90: {  	(tm) =	ssettm $0x1  }
0x91: {  	s17 =	sld [smem:$0x3FFB];
	_ =	sdelay $0x3  }
0x92: {  	_ =	strace s17  }
0x93: {  	s2 =	sld [smem:$0x3FFC];
	_ =	sdelay $0x3  }
0x94: {  	_ =	strace s2  }
0x95: {  	s2 =	sld [smem:$0x3FFD];
	_ =	sdelay $0x3  }
0x96: {  	_ =	strace s2  }
0x97: {  	_ =	strace $0x8FFFFFFF  }
0x98: {  	s18 =	sld [smem:$0x3FDB];
	_ =	sdelay $0x1  }
0x99: {  	s19 =	simm.s32 $_scs_section_size  }
0x9a: {  	s4 =	simm.s32 $_size__tile_overlayer_lowered;
	s5 =	simm.s32 $_tile_overlayer_lowered  }
0x9b: {  	s22 =	simm.s32 $0x1BFF;
	s21 =	sshll.u32 s5, $0x1;
	s2 =	sadd.s32 s19, s18  }
0x9c: {  	s6 =	simm.s32 $0x0;
	s20 =	sshll.u32 s4, $0x1;
	s4 =	sadd.s32 s21, s2  }
0x9d: {  	[timem:s6], [sflag:s22] =	dma.local [hbm:s4], s20  }
0x9e: {  	_ =	swait.ge [sflag:s22], s20  }
0x9f: {  	s3 =	ssub.s32 $0x0, s20;
	[sflag:s22] =	ssyncset.done $0x0  }
0xa0: {  	[sflag:s22] =	ssyncadd.s32 s3;
	_ =	sdelay $0x1  }
0xa1: {  	s23 =	simm.s32 $0x1B8B  }
0xa2: {  	_ =	swait.ge [sflag:s23], $0x1  }
0xa3: {  	[sflag:s23] =	ssyncset.done $0x0  }
0xa4: {  	s25 =	simm.s32 $0x1B8E;
	s24 =	sld [smem:$0x3FFE];
	[sflag:s23] =	ssyncadd.s32 $0xFFFFFFFF  }
0xa5: {  	s26 =	simm.s32 $execute0_lowered;
	[smem:$0x3FD2] =	sst s25  }
0xa6: {  	s4 =	sshll.u32 s26, $0x1;
	_ =	strace $0x80000046;
	[dreg:$0x1] =	wrdreg $0xFFFFFFFF  }
0xa7: {  	s28 =	simm.s32 $_size_execute0_lowered;
	s2 =	sadd.s32 s2, s4;
	[dreg:$0x0] =	wrdreg $0x0  }
0xa8: {  	s4 =	sshll.u32 s28, $0x1;
	[dreg:$0x2] =	wrdreg s2  }
0xa9: {  	[dreg:$0x3] =	wrdreg s4  }
0xaa: {  	[dreg:$0x4] =	wrdreg $0xC0  }
0xab: {  	_ =	task [dreg:s6], $0x5FFFF  }
0xac: {  	[dreg:$0x1] =	wrdreg $0xFFFFFFFF  }
0xad: {  	[dreg:$0x0] =	wrdreg $0x60  }
0xae: {  	[dreg:$0x2] =	wrdreg s24  }
0xaf: {  	[dreg:$0x3] =	wrdreg $0x9  }
0xb0: {  	_ =	task.clear_ibuf [dreg:s6], $0x4FFFF;
	_ =	strace $0x90000046  }
0xb1: {  	s29 =	simm.s32 $0x9;
	_ =	strace $0x80000048  }
0xb2: {  	_ =	swait.ge [sflag:s29], $0x1  }
0xb3: {  	[sflag:s29] =	ssyncadd.s32 $0xFFFFFFFF  }
0xb4: {  	_ =	strace $0x90000048  }
0xb5: {  	_ =	sfence  }
0xb6: {  	s30 =	sld [smem:$0x0];
	_ =	sdelay $0x2  }
0xb7: {  	s31 =	sshll.u32 s1, $0xD;
	s1 =	sshrl.u32 s1, $0x2  }
0xb8: {  	s3 =	sand.u32 $0x4000, s31;
	s1 =	sadd.s32 s1, s30  }
0xb9: {  	s0 =	sor.u32 s3, s0;
	s1 =	sshll.u32 s1, $0x11  }
0xba: {  	s0 =	sor.u32 s1, s0  }
0xbb: {  	s0 =	sadd.s32 $0x8F2B, s0  }
0xbc: {  	[sflag:s0] =	ssyncadd.remote.s32 $0x1  }
0xbd: {  	_ =	sfence.sel $0xFFFF  }
0xbe: {  	[dreg:$0x0] =	wrdreg $0xFFFFFFFF;
	(pc) =	sbr.abs _section_cstart, $3  }
0xbf: {  	[dreg:$0x1] =	wrdreg $0xFFFFFFFF  }
0xc0: {  	_ =	task.clear_ibuf [dreg:s6], $0x2FFFF;
	_ =	strace $0x9FFFFFFF  }
0xc1: {  	(tm) =	ssettm $0x7FFFFFFF  }
tec
execute0_lowered:
.L_overlay_start_1:
0x0: {  	(tag) =	ssettag $0x1  }
0x1: {  	s0 =	rddreg [dreg:$0x0]  }
0x2: {  	s2 =	simm.s32 $0x0;
	s1 =	srdreg.scid;
	s3 =	stileid.u32  }
0x3: {  	s15 =	simm.s32 $0x80;
	s16 =	simm.s32 $0x400;
	s17 =	simm.s32 $0xE100  }
0x4: {  	s18 =	simm.s32 $0x12C00;
	s21 =	simm.s32 $0x10680;
	s22 =	simm.s32 $0x15180  }
0x5: {  	s23 =	simm.s32 $0x2580;
	s24 =	simm.s32 $0x7080;
	s25 =	simm.s32 $0xBB80  }
0x6: {  	s28 =	simm.s32 $0x2;
	s30 =	simm.s32 $0x3;
	[smem:$0x7FF] =	sst s2  }
0x7: {  	s1 =	sand.u32 $0x1, s1;
	s3 =	sshll.u32 s3, $0x1;
	s4 =	sadd.s32 $0x12CC00, s0  }
0x8: {  	s5 =	sadd.s32 $0x258C00, s0;
	_ =	strace $0x80000047;
	s6 =	sor.u32 s1, s3  }
0x9: {  	s3 =	sadd.s32 $0xC00, s0;
	s1 =	ssub.s32 $0x2, s1;
	s7 =	smul.u32 $0x4B000, s6  }
0xa: {  	s8 =	sshll.u32 s6, $0x4;
	s26 =	sshrl.u32 s1, $0x1;
	s6 =	sshll.u32 s6, $0x5  }
0xb: {  	s0 =	sadd.s32 s8, s0;
	s1 =	ssub.s32 s1, s26;
	s26 =	simm.s32 $0x1  }
0xc: {  	s11 =	sshrl.u32 s7, $0x3;
	s12 =	sadd.s32 $0x5DCC00, s0;
	s13 =	sadd.s32 $0x5DCE00, s0  }
0xd: {  	s14 =	smax.u32 s1, $0x1;
	s7 =	sadd.s32 s5, s11;
	s29 =	sadd.s32 s3, s11  }
0xe: {  	s0 =	simm.s32 $0x0;
	[dreg:$0x2] =	wrdreg s29;
	s31 =	sadd.s32 $0x12C000, s7  }
0xf: {  	s11 =	sadd.s32 s4, s11;
	s10 =	sadd.s32 $0x258000, s7;
	[dreg:$0x3] =	wrdreg s31  }
.LBB2_1:
0x10: {  	s1 =	rddreg [dreg:$0x2]  }
0x11: {  	[tilespmem:s17], [sflag:$0x1] =	stream.strided.gather [hbm4b:s1+s15], $0x2580, s16, s15, $0x38;
	[tilespmem:$0x17800] =	vst v63  }
0x12: {  	_ = 	snop  }
0x13: {  	[tilespmem:s18], [sflag:$0x1] =	stream.strided.gather [hbm4b:s11+s15], $0x2580, s16, s15, $0x38;
	[tilespmem:$0x17800] =	vst v63  }
0x14: {  	_ = 	snop  }
0x15: {  	[tilespmem:s2], [sflag:$0x1] =	stream.strided.gather [hbm4b:s7+s15], $0x2580, s16, s15, $0x38;
	[tilespmem:$0x17800] =	vst v63  }
0x16: {  	s29 =	rddreg [dreg:$0x3];
	s8 =	simm.s32 $0x4B00  }
0x17: {  	v1 =	vimm.f32 $0.0e+00;
	v2 =	vimm.f32 $0.0e+00;
	[tilespmem:s8], [sflag:$0x1] =	stream.strided.gather [hbm4b:s29+s15], $0x2580, s16, s15, $0x38;
	[tilespmem:$0x17800] =	vst v63  }
0x18: {  	s31 =	simm.s32 $0x9600;
	v6 =	vimm.f32 $0.0e+00;
	v10 =	vimm.f32 $0.0e+00;
	v5 =	vimm.f32 $0.0e+00;
	s1 =	simm.s32 $0x0  }
0x19: {  	v0 =	vimm.f32 $0.0e+00;
	v3 =	vimm.f32 $0.0e+00;
	v4 =	vimm.f32 $0.0e+00;
	[tilespmem:s31], [sflag:$0x1] =	stream.strided.gather [hbm4b:s10+s15], $0x2580, s16, s15, $0x38;
	[tilespmem:$0x17800] =	vst v63  }
.LBB2_2:
0x1a: {  	s8 =	sshll.u32 s1, $0x1  }
0x1b: {  	s19 =	sor.u32 s6, s8  }
0x1c: {  	s8 =	sshrl.u32 s19, $0x3  }
0x1d: {  	s20 =	sshll.u32 s1, $0x8;
	s8 =	smul.u32 $0x12C00, s8  }
0x1e: {  	s20 =	sand.u32 $0x300, s20  }
0x1f: {  	s8 =	sor.u32 s8, s20  }
0x20: {  	s20 =	sor.u32 $0x80, s8  }
0x21: {  	s20 =	sshrl.u32 s20, $0x3  }
0x22: {  	s29 =	sadd.s32 s3, s20  }
0x23: {  	[tilespmem:s21], [sflag:$0x2] =	stream.strided.gather [hbm4b:s29+s15], $0x2580, s16, s15, $0x38;
	[tilespmem:$0x17800] =	vst v63  }
0x24: {  	s29 =	sadd.s32 s4, s20  }
0x25: {  	[tilespmem:s22], [sflag:$0x2] =	stream.strided.gather [hbm4b:s29+s15], $0x2580, s16, s15, $0x38;
	[tilespmem:$0x17800] =	vst v63  }
0x26: {  	s9 =	sadd.s32 $0x960080, s8;
	s20 =	sadd.s32 s5, s20  }
0x27: {  	[tilespmem:s23], [sflag:$0x2] =	stream.strided.gather [hbm4b:s20+s15], $0x2580, s16, s15, $0x38;
	[tilespmem:$0x17800] =	vst v63  }
0x28: {  	s8 =	sadd.s32 $0x12C0080, s8;
	s20 =	sshrl.u32 s9, $0x3  }
0x29: {  	s8 =	sshrl.u32 s8, $0x3;
	s20 =	sadd.s32 s5, s20  }
0x2a: {  	[tilespmem:s24], [sflag:$0x2] =	stream.strided.gather [hbm4b:s20+s15], $0x2580, s16, s15, $0x38;
	[tilespmem:$0x17800] =	vst v63  }
0x2b: {  	s8 =	sadd.s32 s5, s8  }
0x2c: {  	[tilespmem:s25], [sflag:$0x2] =	stream.strided.gather [hbm4b:s8+s15], $0x2580, s16, s15, $0x38;
	[tilespmem:$0x17800] =	vst v63  }
0x2d: {  	_ =	swait.ge [sflag:s26], $0x2580  }
0x2e: {  	[sflag:s26] =	ssyncset.done $0x0  }
0x2f: {  	[sflag:s26] =	ssyncadd.s32 $0xFFFFDA80  }
0x30: {  	_ =	swait.ge [sflag:s26], $0x2580  }
0x31: {  	[sflag:s26] =	ssyncset.done $0x0  }
0x32: {  	[sflag:s26] =	ssyncadd.s32 $0xFFFFDA80  }
0x33: {  	_ =	swait.ge [sflag:s26], $0x2580  }
0x34: {  	[sflag:s26] =	ssyncset.done $0x0  }
0x35: {  	[sflag:s26] =	ssyncadd.s32 $0xFFFFDA80  }
0x36: {  	_ =	swait.ge [sflag:s26], $0x2580  }
0x37: {  	[sflag:s26] =	ssyncset.done $0x0  }
0x38: {  	[sflag:s26] =	ssyncadd.s32 $0xFFFFDA80  }
0x39: {  	_ =	swait.ge [sflag:s26], $0x2580  }
0x3a: {  	[sflag:s26] =	ssyncset.done $0x0  }
0x3b: {  	s20 =	simm.s32 $0x4B40;
	[sflag:s26] =	ssyncadd.s32 $0xFFFFDA80  }
0x3c: {  	v7 =	vld [tilespmem:s20+$0xFFFFFFE0]  }
0x3d: {  	s9 =	simm.s32 $0x40;
	v8 =	vld [tilespmem:s20+$0x20]  }
0x3e: {  	v9 =	vld [tilespmem:s9+$0x20]  }
0x3f: {  	v11 =	vld [tilespmem:s20+$0x30]  }
0x40: {  	v12 =	vld [tilespmem:s20+$0x0]  }
0x41: {  	v13 =	vld [tilespmem:s20+$0xFFFFFFF0]  }
0x42: {  	v14 =	vld [tilespmem:s20+$0xFFFFFFD0]  }
0x43: {  	v15 =	vld [tilespmem:s9+$0x30]  }
0x44: {  	v16 =	vld [tilespmem:s9+$0xFFFFFFF0]  }
0x45: {  	v18 =	vld [tilespmem:s9+$0x10]  }
0x46: {  	v19 =	vld [tilespmem:s9+$0x0]  }
0x47: {  	v20 =	vld [tilespmem:s9+$0xFFFFFFE0];
	v7 =	vtrunc.f32 v7;
	v9 =	vtrunc.f32 v9  }
0x48: {  	v8 =	vtrunc.f32 v8;
	v11 =	vtrunc.f32 v11  }
0x49: {  	v12 =	vtrunc.f32 v12;
	v13 =	vtrunc.f32 v13  }
0x4a: {  	v14 =	vtrunc.f32 v14;
	v15 =	vtrunc.f32 v15  }
0x4b: {  	v16 =	vtrunc.f32 v16;
	v19 =	vtrunc.f32 v19  }
0x4c: {  	v18 =	vtrunc.f32 v18;
	v20 =	vtrunc.f32 v20  }
0x4d: {  	v8 =	vcvt.f32.s32 v8;
	v9 =	vcvt.f32.s32 v9  }
0x4e: {  	v17 =	vld [tilespmem:s20+$0x10];
	v7 =	vcvt.f32.s32 v7;
	v11 =	vcvt.f32.s32 v11  }
0x4f: {  	v15 =	vcvt.f32.s32 v15;
	v16 =	vcvt.f32.s32 v16  }
0x50: {  	v13 =	vcvt.f32.s32 v13;
	v19 =	vcvt.f32.s32 v19  }
0x51: {  	v20 =	vcvt.f32.s32 v20;
	v18 =	vcvt.f32.s32 v18  }
0x52: {  	v22 =	vld [tilespmem:s9+$0xFFFFFFD0];
	v14 =	vcvt.f32.s32 v14;
	v12 =	vcvt.f32.s32 v12;
	vm1 =	vlt.u32 v8, $0x30  }
0x53: {  	v21 =	vmul.u32 $0x30, v9;
	vm2 =	vlt.u32 v9, $0xC8;
	v9 =	vtrunc.f32 v17  }
0x54: {  	v23 =	vld [tilespmem:s20+$0xFFFFFFC0];
	vm0 =	vlt.u32 v11, $0x30;
	v17 =	vmul.u32 $0x30, v15;
	vm3 =	vlt.u32 v16, $0xC8  }
0x55: {  	v16 =	vmul.u32 $0x30, v16;
	vm4 =	vlt.u32 v13, $0x30;
	v25 =	vmul.u32 $0x30, v18  }
0x56: {  	v29 =	vmul.u32 $0x30, v19;
	vm9 =	vlt.u32 v20, $0xC8;
	vm6 =	vlt.u32 v14, $0x30  }
0x57: {  	s20 =	simm.s32 $0x9640;
	v8 =	vadd.s32 v8, v21;
	v16 =	vadd.s32 v13, v16;
	v21 =	vtrunc.f32 v22  }
0x58: {  	v24 =	vld [tilespmem:s20+$0x20];
	vm10 =	vlt.u32 v7, $0x30;
	v16 =	vmin.u32 v16, $0x257F;
	v21 =	vcvt.f32.s32 v21  }
0x59: {  	v27 =	vld [tilespmem:s20+$0xFFFFFFF0];
	v9 =	vcvt.f32.s32 v9;
	v11 =	vadd.s32 v11, v17;
	v13 =	vtrunc.f32 v23  }
0x5a: {  	v17 =	vld [tilespmem:s9+$0xFFFFFFC0];
	v22 =	vmul.u32 $0x30, v20;
	v8 =	vmin.u32 v8, $0x257F;
	v23 =	vmul.u32 $0x30, v21  }
0x5b: {  	v28 =	vld [tilespmem:s20+$0x10];
	vm13 =	vlt.u32 v15, $0xC8;
	vm15 =	vlt.u32 v19, $0xC8;
	v25 =	vadd.s32 v9, v25  }
0x5c: {  	v22 =	vadd.s32 v7, v22;
	v20 =	vmin.u32 v25, $0x257F;
	v23 =	vadd.s32 v14, v23;
	v14 =	vld [tilespmem:s20+$0xFFFFFFE0]  }
0x5d: {  	vm5 =	vmand vm3, vm4;
	vm8 =	vmand vm2, vm1;
	v22 =	vmin.u32 v22, $0x257F;
	v26 =	vld.idx.msk [tilespmem:v16+s17+$0x0], $0xffff  }
0x5e: {  	vm1 =	vlt.u32 v12, $0x30;
	vm2 =	vlt.u32 v18, $0xC8;
	vm9 =	vmand vm9, vm10;
	v16 =	vld.idx.msk [tilespmem:v16+s18+$0x0], $0xffff  }
0x5f: {  	v29 =	vadd.s32 v12, v29;
	vm3 =	vlt.u32 v9, $0x30;
	v17 =	vtrunc.f32 v17;
	v9 =	vld.idx.msk [tilespmem:v8+s18+$0x0], $0xffff  }
0x60: {  	v13 =	vcvt.f32.s32 v13;
	v12 =	vmin.u32 v29, $0x257F;
	v17 =	vcvt.f32.s32 v17;
	v60 =	vld.idx.msk [tilespmem:v8+s17+$0x0], $0xffff  }
0x61: {  	vm0 =	vmand vm13, vm0;
	vm1 =	vmand vm15, vm1;
	v23 =	vmin.u32 v23, $0x257F;
	v7 =	vld.idx.msk [tilespmem:v20+s17+$0x0], $0xffff  }
0x62: {  	vm7 =	vlt.u32 v13, $0x30;
	v25 =	vmul.u32 $0x30, v17;
	vm12 =	vlt.u32 v17, $0xC8;
	v17 =	vld.idx.msk [tilespmem:v22+s17+$0x0], $0xffff  }
0x63: {  	v15 =	vld [tilespmem:s20+$0x0];
	vm2 =	vmand vm2, vm3;
	vm14 =	vlt.u32 v21, $0xC8;
	vm4 =	vmand vm12, vm7  }
0x64: {  	v22 =	vld.idx.msk [tilespmem:v22+s18+$0x0], $0xffff;
	v13 =	vadd.s32 v13, v25;
	v26 =	vsub.f32 v26, v27;
	v27 =	vmin.u32 v11, $0x257F  }
0x65: {  	v8 =	vnsel vm5, $0x0, v16;
	v16 =	vld.idx.msk [tilespmem:v12+s17+$0x0], $0xffff;
	v13 =	vmin.u32 v13, $0x257F;
	v19 =	vsub.f32 v60, v24  }
0x66: {  	v21 =	vld.idx.msk [tilespmem:v23+s18+$0x0], $0xffff;
	vm5 =	vmand vm14, vm6;
	v11 =	vand.u32 $0x7FFFFFFF, v26;
	v18 =	vmul.f32 $5.000000000e-01, v26  }
0x67: {  	v14 =	vsub.f32 v17, v14;
	v17 =	vsub.f32 v7, v28;
	v7 =	vnsel vm8, $0x0, v9  }
0x68: {  	v25 =	vadd.f32 $-5.000000000e-01, v11;
	vm11 =	vlt.f32 v11, $1.000000000e+00;
	v11 =	vmul.f32 v18, v26  }
0x69: {  	v31 =	vld [tilespmem:s20+$0xFFFFFFD0];
	v18 =	vnsel vm9, $0x0, v22;
	v26 =	vand.u32 $0x7FFFFFFF, v17;
	v28 =	vmul.f32 $5.000000000e-01, v17  }
0x6a: {  	v24 =	vld [tilespmem:s20+$0x30];
	v30 =	vand.u32 $0x7FFFFFFF, v14;
	v6 =	vadd.f32 v18, v6;
	v15 =	vsub.f32 v16, v15  }
0x6b: {  	v61 =	vld.idx.msk [tilespmem:v13+s17+$0x0], $0xffff;
	v9 =	vnsel vm5, $0x0, v21;
	v32 =	vadd.f32 $-5.000000000e-01, v26;
	vm12 =	vlt.f32 v26, $1.000000000e+00  }
0x6c: {  	v16 =	vld [tilespmem:s20+$0xFFFFFFC0];
	v26 =	vmul.f32 $5.000000000e-01, v19;
	v11 =	vsel vm11, v11, v25;
	v25 =	vmul.f32 $5.000000000e-01, v14  }
0x6d: {  	v22 =	vld.idx.msk [tilespmem:v27+s17+$0x0], $0xffff;
	vm14 =	vlt.f32 v30, $1.000000000e+00;
	v62 =	vmul.f32 $5.000000000e-01, v15;
	v11 =	vmul.f32 v11, v8  }
0x6e: {  	v20 =	vld.idx.msk [tilespmem:v20+s18+$0x0], $0xffff;
	v5 =	vadd.f32 v9, v5;
	v21 =	vmul.f32 v25, v14;
	v14 =	vmul.f32 v28, v17  }
0x6f: {  	v6 =	vadd.f32 v7, v6;
	v17 =	vld.idx.msk [tilespmem:v23+s17+$0x0], $0xffff;
	v23 =	vadd.f32 $-5.000000000e-01, v30;
	v25 =	vand.u32 $0x7FFFFFFF, v15  }
0x70: {  	v33 =	vadd.f32 $-5.000000000e-01, v25;
	vm13 =	vlt.f32 v25, $1.000000000e+00;
	v14 =	vsel vm12, v14, v32  }
0x71: {  	v16 =	vsub.f32 v61, v16;
	v21 =	vsel vm14, v21, v23;
	v23 =	vmul.f32 v62, v15  }
0x72: {  	v22 =	vsub.f32 v22, v24;
	v24 =	vand.u32 $0x7FFFFFFF, v19;
	v19 =	vmul.f32 v26, v19  }
0x73: {  	v25 =	vld.idx.msk [tilespmem:v13+s18+$0x0], $0xffff;
	vm15 =	vlt.f32 v24, $1.000000000e+00;
	v13 =	vsel vm13, v23, v33;
	v23 =	vmul.f32 $5.000000000e-01, v16  }
0x74: {  	v15 =	vsub.f32 v17, v31;
	v17 =	vmul.f32 v21, v18;
	v21 =	vnsel vm2, $0x0, v20  }
0x75: {  	v12 =	vld.idx.msk [tilespmem:v12+s18+$0x0], $0xffff;
	v18 =	vand.u32 $0x7FFFFFFF, v16;
	v20 =	vmul.f32 $5.000000000e-01, v22;
	v5 =	vadd.f32 v21, v5  }
0x76: {  	v10 =	vadd.f32 v17, v10;
	v17 =	vmul.f32 v23, v16;
	v23 =	vand.u32 $0x7FFFFFFF, v22  }
0x77: {  	v16 =	vadd.f32 $-5.000000000e-01, v24;
	v26 =	vmul.f32 v20, v22;
	v22 =	vld.idx.msk [tilespmem:v27+s18+$0x0], $0xffff;
	v63 =	vadd.f32 $-5.000000000e-01, v23  }
0x78: {  	v20 =	vnsel vm4, $0x0, v25;
	v24 =	vmul.f32 $5.000000000e-01, v15;
	vm2 =	vlt.f32 v23, $1.000000000e+00  }
0x79: {  	s31 =	simm.s32 $0xC0;
	s29 =	simm.s32 $0x0;
	s8 =	simm.s32 $0x4BC0;
	v23 =	vand.u32 $0x7FFFFFFF, v15;
	v16 =	vsel vm15, v19, v16;
	v19 =	vsel vm2, v26, v63  }
.LBB2_3:
0x7a: {  	v25 =	vld [tilespmem:s8+$0xFFFFFFE0];
	s29 =	sadd.s32 $0x2, s29;
	v26 =	vadd.f32 $-5.000000000e-01, v23;
	v12 =	vnsel vm1, $0x0, v12;
	v14 =	vmul.f32 v14, v21;
	s20 =	sadd.s32 $0x80, s20  }
0x7b: {  	vm1 =	vlt.f32 v18, $1.000000000e+00;
	v18 =	vadd.f32 $-5.000000000e-01, v18;
	v1 =	vadd.f32 v8, v1;
	v21 =	vld [tilespmem:s8+$0x20];
	p0 =	slt.u32 s29, $0x94  }
0x7c: {  	v3 =	vadd.f32 v20, v3;
	v15 =	vmul.f32 v24, v15;
	v22 =	vnsel vm0, $0x0, v22;
	v8 =	vld [tilespmem:s31+$0x20]  }
0x7d: {  	vm0 =	vlt.f32 v23, $1.000000000e+00;
	v17 =	vsel vm1, v17, v18;
	v1 =	vadd.f32 v22, v1;
	v24 =	vld [tilespmem:s8+$0x30]  }
0x7e: {  	v2 =	vadd.f32 v11, v2;
	v11 =	vmul.f32 v13, v12;
	v17 =	vmul.f32 v17, v20;
	v18 =	vld [tilespmem:s8+$0x0]  }
0x7f: {  	v19 =	vmul.f32 v19, v22;
	v15 =	vsel vm0, v15, v26;
	v13 =	vtrunc.f32 v25;
	v20 =	vld [tilespmem:s8+$0xFFFFFFF0]  }
0x80: {  	v3 =	vadd.f32 v12, v3;
	v9 =	vmul.f32 v15, v9;
	v4 =	vadd.f32 v17, v4;
	v22 =	vld [tilespmem:s8+$0xFFFFFFD0]  }
0x81: {  	v7 =	vmul.f32 v16, v7;
	v2 =	vadd.f32 v19, v2;
	v8 =	vtrunc.f32 v8;
	v12 =	vld [tilespmem:s31+$0x30]  }
0x82: {  	v16 =	vtrunc.f32 v21;
	v0 =	vadd.f32 v9, v0;
	v15 =	vld [tilespmem:s31+$0xFFFFFFF0];
	v17 =	vtrunc.f32 v24  }
0x83: {  	v10 =	vadd.f32 v7, v10;
	v16 =	vcvt.f32.s32 v16;
	v9 =	vtrunc.f32 v18;
	v18 =	vld [tilespmem:s31+$0x10]  }
0x84: {  	v8 =	vcvt.f32.s32 v8;
	v0 =	vadd.f32 v14, v0;
	v7 =	vtrunc.f32 v20;
	v19 =	vld [tilespmem:s8+$0x10]  }
0x85: {  	v13 =	vcvt.f32.s32 v13;
	v4 =	vadd.f32 v11, v4;
	v17 =	vcvt.f32.s32 v17;
	v14 =	vld [tilespmem:s31+$0x0]  }
0x86: {  	vm1 =	vlt.u32 v16, $0x30;
	v11 =	vtrunc.f32 v22;
	v20 =	vld [tilespmem:s31+$0xFFFFFFE0];
	v12 =	vtrunc.f32 v12  }
0x87: {  	v22 =	vmul.u32 $0x30, v8;
	v21 =	vld [tilespmem:s31+$0xFFFFFFD0];
	v15 =	vtrunc.f32 v15;
	v12 =	vcvt.f32.s32 v12  }
0x88: {  	vm2 =	vlt.u32 v8, $0xC8;
	v7 =	vcvt.f32.s32 v7;
	v23 =	vld [tilespmem:s31+$0xFFFFFFC0];
	v15 =	vcvt.f32.s32 v15  }
0x89: {  	vm0 =	vlt.u32 v17, $0x30;
	v8 =	vtrunc.f32 v19;
	v19 =	vmul.u32 $0x30, v12  }
0x8a: {  	v16 =	vadd.s32 v16, v22;
	v24 =	vld [tilespmem:s8+$0xFFFFFFC0];
	vm3 =	vlt.u32 v15, $0xC8;
	v15 =	vmul.u32 $0x30, v15  }
0x8b: {  	v18 =	vtrunc.f32 v18;
	v14 =	vtrunc.f32 v14;
	v17 =	vadd.s32 v17, v19  }
0x8c: {  	v19 =	vtrunc.f32 v20;
	v14 =	vcvt.f32.s32 v14;
	v15 =	vadd.s32 v7, v15  }
0x8d: {  	v20 =	vtrunc.f32 v21;
	v19 =	vcvt.f32.s32 v19;
	v15 =	vmin.u32 v15, $0x257F  }
0x8e: {  	vm4 =	vlt.u32 v7, $0x30;
	v7 =	vcvt.f32.s32 v8;
	v20 =	vcvt.f32.s32 v20  }
0x8f: {  	v11 =	vcvt.f32.s32 v11;
	v21 =	vmul.u32 $0x30, v19;
	v8 =	vtrunc.f32 v24;
	v22 =	vld [tilespmem:s20+$0x20]  }
0x90: {  	v18 =	vcvt.f32.s32 v18;
	vm6 =	vmand vm3, vm4;
	v24 =	vmul.u32 $0x30, v20  }
0x91: {  	v23 =	vtrunc.f32 v23;
	v8 =	vcvt.f32.s32 v8;
	v21 =	vadd.s32 v13, v21;
	v25 =	vld [tilespmem:s20+$0x0]  }
0x92: {  	v27 =	vmul.u32 $0x30, v18;
	v24 =	vadd.s32 v11, v24;
	v21 =	vmin.u32 v21, $0x257F;
	v26 =	vld [tilespmem:s20+$0x10]  }
0x93: {  	v23 =	vcvt.f32.s32 v23;
	vm9 =	vlt.u32 v19, $0xC8;
	v24 =	vmin.u32 v24, $0x257F;
	v19 =	vld.idx.msk [tilespmem:v15+s17+$0x0], $0xffff  }
0x94: {  	vm5 =	vlt.u32 v11, $0x30;
	v16 =	vmin.u32 v16, $0x257F;
	v27 =	vadd.s32 v7, v27;
	v11 =	vld [tilespmem:s20+$0xFFFFFFF0]  }
0x95: {  	v9 =	vcvt.f32.s32 v9;
	v29 =	vmul.u32 $0x30, v14;
	v27 =	vmin.u32 v27, $0x257F;
	v28 =	vld [tilespmem:s20+$0xFFFFFFE0]  }
0x96: {  	vm8 =	vmand vm2, vm1;
	v30 =	vmul.u32 $0x30, v23;
	v15 =	vld.idx.msk [tilespmem:v15+s18+$0x0], $0xffff  }
0x97: {  	vm1 =	vlt.u32 v9, $0x30;
	v9 =	vadd.s32 v9, v29;
	vm4 =	vlt.u32 v23, $0xC8;
	v23 =	vld.idx.msk [tilespmem:v21+s17+$0x0], $0xffff  }
0x98: {  	v9 =	vmin.u32 v9, $0x257F;
	v21 =	vld.idx.msk [tilespmem:v21+s18+$0x0], $0xffff  }
0x99: {  	vm2 =	vlt.u32 v18, $0xC8;
	vm3 =	vlt.u32 v7, $0x30;
	v11 =	vsub.f32 v19, v11;
	v7 =	vld.idx.msk [tilespmem:v16+s18+$0x0], $0xffff  }
0x9a: {  	vm10 =	vlt.u32 v13, $0x30;
	vm7 =	vlt.u32 v8, $0x30;
	v19 =	vmin.u32 v17, $0x257F;
	v13 =	vld.idx.msk [tilespmem:v27+s17+$0x0], $0xffff  }
0x9b: {  	vm9 =	vmand vm9, vm10;
	v17 =	vand.u32 $0x7FFFFFFF, v11;
	v18 =	vmul.f32 $5.000000000e-01, v11;
	v16 =	vld.idx.msk [tilespmem:v16+s17+$0x0], $0xffff  }
0x9c: {  	vm10 =	vlt.u32 v12, $0xC8;
	v29 =	vadd.s32 v8, v30;
	v30 =	vld.idx.msk [tilespmem:v24+s18+$0x0], $0xffff;
	v31 =	vadd.f32 $-5.000000000e-01, v17  }
0x9d: {  	v8 =	vnsel vm6, $0x0, v15;
	vm11 =	vlt.f32 v17, $1.000000000e+00;
	v11 =	vmul.f32 v18, v11;
	v15 =	vld.idx.msk [tilespmem:v9+s17+$0x0], $0xffff  }
0x9e: {  	vm6 =	vlt.u32 v20, $0xC8;
	v17 =	vmin.u32 v29, $0x257F;
	v18 =	vnsel vm9, $0x0, v21;
	v12 =	vld.idx.msk [tilespmem:v9+s18+$0x0], $0xffff  }
0x9f: {  	vm0 =	vmand vm10, vm0;
	v20 =	vsub.f32 v23, v28;
	v11 =	vsel vm11, v11, v31  }
0xa0: {  	v6 =	vadd.f32 v18, v6;
	v7 =	vnsel vm8, $0x0, v7;
	v13 =	vsub.f32 v13, v26;
	v21 =	vld.idx.msk [tilespmem:v19+s17+$0x0], $0xffff  }
0xa1: {  	v23 =	vmul.f32 $5.000000000e-01, v20;
	vm8 =	vlt.u32 v14, $0xC8;
	v16 =	vsub.f32 v16, v22;
	v22 =	vld [tilespmem:s20+$0x30]  }
0xa2: {  	vm5 =	vmand vm6, vm5;
	v14 =	vand.u32 $0x7FFFFFFF, v13;
	v26 =	vmul.f32 $5.000000000e-01, v13;
	v24 =	vld.idx.msk [tilespmem:v24+s17+$0x0], $0xffff  }
0xa3: {  	v29 =	vand.u32 $0x7FFFFFFF, v20;
	vm1 =	vmand vm8, vm1;
	v15 =	vsub.f32 v15, v25;
	v28 =	vld.idx.msk [tilespmem:v17+s17+$0x0], $0xffff  }
0xa4: {  	v20 =	vmul.f32 v23, v20;
	v9 =	vnsel vm5, $0x0, v30;
	v13 =	vmul.f32 v26, v13;
	v25 =	vld [tilespmem:s20+$0xFFFFFFC0]  }
0xa5: {  	v23 =	vadd.f32 $-5.000000000e-01, v29;
	v26 =	vand.u32 $0x7FFFFFFF, v15;
	v30 =	vmul.f32 $5.000000000e-01, v15  }
0xa6: {  	vm4 =	vmand vm4, vm7;
	v11 =	vmul.f32 v11, v8;
	v32 =	vadd.f32 $-5.000000000e-01, v14;
	v31 =	vld [tilespmem:s20+$0xFFFFFFD0]  }
0xa7: {  	vm5 =	vlt.f32 v14, $1.000000000e+00;
	v34 =	vmul.f32 $5.000000000e-01, v16;
	v33 =	vadd.f32 $-5.000000000e-01, v26;
	v27 =	vld.idx.msk [tilespmem:v27+s18+$0x0], $0xffff  }
0xa8: {  	vm6 =	vlt.f32 v26, $1.000000000e+00;
	v14 =	vsel vm5, v13, v32;
	v26 =	vsub.f32 v21, v22  }
0xa9: {  	vm5 =	vlt.f32 v29, $1.000000000e+00;
	v22 =	vsub.f32 v28, v25;
	v25 =	vand.u32 $0x7FFFFFFF, v16  }
0xaa: {  	v13 =	vsel vm5, v20, v23;
	v20 =	vmul.f32 v30, v15;
	vm5 =	vlt.f32 v25, $1.000000000e+00  }
0xab: {  	vm2 =	vmand vm2, vm3;
	v23 =	vld.idx.msk [tilespmem:v17+s18+$0x0], $0xffff;
	v15 =	vsub.f32 v24, v31;
	v17 =	vmul.f32 v13, v18  }
0xac: {  	v6 =	vadd.f32 v7, v6;
	v16 =	vmul.f32 v34, v16;
	v13 =	vsel vm6, v20, v33  }
0xad: {  	v18 =	vand.u32 $0x7FFFFFFF, v22;
	v20 =	vmul.f32 $5.000000000e-01, v22;
	v21 =	vnsel vm2, $0x0, v27  }
.Ltmp0:
0xae: {  	v5 =	vadd.f32 v9, v5;
	v24 =	vmul.f32 $5.000000000e-01, v26;
	v10 =	vadd.f32 v17, v10;
	(pc) =	sbr.rel @p0 .LBB2_3-.Ltmp0, $4  }
0xaf: {  	v25 =	vadd.f32 $-5.000000000e-01, v25;
	v17 =	vmul.f32 v20, v22;
	v22 =	vld.idx.msk [tilespmem:v19+s18+$0x0], $0xffff;
	v19 =	vand.u32 $0x7FFFFFFF, v26  }
0xb0: {  	v5 =	vadd.f32 v21, v5;
	v26 =	vmul.f32 v24, v26;
	v27 =	vadd.f32 $-5.000000000e-01, v19  }
0xb1: {  	v16 =	vsel vm5, v16, v25;
	v20 =	vnsel vm4, $0x0, v23;
	vm2 =	vlt.f32 v19, $1.000000000e+00  }
0xb2: {  	s31 =	sadd.s32 $0x80, s31;
	s8 =	sadd.s32 $0x80, s8;
	v24 =	vmul.f32 $5.000000000e-01, v15;
	v23 =	vand.u32 $0x7FFFFFFF, v15;
	v19 =	vsel vm2, v26, v27  }
0xb3: {  	p0 =	seq.s32 s1, $0xF  }
0xb4: {  	s8 =	sadd.s32 @!p0 $0x2, s19  }
0xb5: {  	s19 =	sshrl.u32 @!p0 s8, $0x3  }
0xb6: {  	s8 =	sshll.u32 @!p0 s8, $0x7;
	s19 =	smul.u32 @!p0 $0x12C00, s19  }
0xb7: {  	s8 =	sand.u32 @!p0 $0x300, s8  }
0xb8: {  	s8 =	sor.u32 @!p0 s8, s19  }
0xb9: {  	s29 =	simm.s32 @!p0 $0x80;
	s19 =	sshrl.u32 @!p0 s8, $0x3  }
0xba: {  	s31 =	simm.s32 @!p0 $0x400;
	s9 =	simm.s32 @!p0 $0xE100;
	s20 =	sadd.s32 @!p0 s3, s19  }
0xbb: {  	[tilespmem:s9], [sflag:$0x1] =	stream.strided.gather @!p0 [hbm4b:s20+s29], $0x2580, s31, s29, $0x38;
	[tilespmem:$0x17800] =	vst v63  }
0xbc: {  	s9 =	sadd.s32 @!p0 s4, s19;
	s20 =	simm.s32 @!p0 $0x12C00  }
0xbd: {  	[tilespmem:s20], [sflag:$0x1] =	stream.strided.gather @!p0 [hbm4b:s9+s29], $0x2580, s31, s29, $0x38;
	[tilespmem:$0x17800] =	vst v63  }
0xbe: {  	s9 =	sadd.s32 @!p0 s5, s19;
	s19 =	simm.s32 @!p0 $0x0  }
0xbf: {  	[tilespmem:s19], [sflag:$0x1] =	stream.strided.gather @!p0 [hbm4b:s9+s29], $0x2580, s31, s29, $0x38;
	[tilespmem:$0x17800] =	vst v63  }
0xc0: {  	s9 =	sadd.s32 @!p0 $0x960000, s8  }
0xc1: {  	s8 =	sadd.s32 @!p0 $0x12C0000, s8;
	s9 =	sshrl.u32 @!p0 s9, $0x3  }
0xc2: {  	s19 =	simm.s32 @!p0 $0x4B00;
	s8 =	sshrl.u32 @!p0 s8, $0x3;
	s9 =	sadd.s32 @!p0 s5, s9  }
0xc3: {  	[tilespmem:s19], [sflag:$0x1] =	stream.strided.gather @!p0 [hbm4b:s9+s29], $0x2580, s31, s29, $0x38;
	[tilespmem:$0x17800] =	vst v63  }
0xc4: {  	s8 =	sadd.s32 @!p0 s5, s8;
	s9 =	simm.s32 @!p0 $0x9600  }
0xc5: {  	[tilespmem:s9], [sflag:$0x1] =	stream.strided.gather @!p0 [hbm4b:s8+s29], $0x2580, s31, s29, $0x38;
	[tilespmem:$0x17800] =	vst v63  }
0xc6: {  	_ =	swait.ge [sflag:s28], $0x2580  }
0xc7: {  	[sflag:s28] =	ssyncset.done $0x0  }
0xc8: {  	[sflag:s28] =	ssyncadd.s32 $0xFFFFDA80  }
0xc9: {  	_ =	swait.ge [sflag:s28], $0x2580  }
0xca: {  	[sflag:s28] =	ssyncset.done $0x0  }
0xcb: {  	[sflag:s28] =	ssyncadd.s32 $0xFFFFDA80  }
0xcc: {  	_ =	swait.ge [sflag:s28], $0x2580  }
0xcd: {  	[sflag:s28] =	ssyncset.done $0x0  }
0xce: {  	[sflag:s28] =	ssyncadd.s32 $0xFFFFDA80  }
0xcf: {  	_ =	swait.ge [sflag:s28], $0x2580  }
0xd0: {  	[sflag:s28] =	ssyncset.done $0x0  }
0xd1: {  	[sflag:s28] =	ssyncadd.s32 $0xFFFFDA80  }
0xd2: {  	_ =	swait.ge [sflag:s28], $0x2580  }
0xd3: {  	[sflag:s28] =	ssyncset.done $0x0  }
0xd4: {  	s20 =	simm.s32 $0x70C0;
	[sflag:s28] =	ssyncadd.s32 $0xFFFFDA80  }
0xd5: {  	v26 =	vadd.f32 $-5.000000000e-01, v18;
	v27 =	vld [tilespmem:s20+$0xFFFFFFE0]  }
0xd6: {  	v12 =	vnsel vm1, $0x0, v12;
	vm1 =	vlt.f32 v18, $1.000000000e+00;
	v1 =	vadd.f32 v8, v1;
	s31 =	simm.s32 $0x25C0;
	v8 =	vld [tilespmem:s20+$0x20]  }
0xd7: {  	v25 =	vadd.f32 $-5.000000000e-01, v23;
	v17 =	vsel vm1, v17, v26;
	v18 =	vld [tilespmem:s31+$0x20]  }
0xd8: {  	v14 =	vmul.f32 v14, v21;
	v3 =	vadd.f32 v20, v3;
	v17 =	vmul.f32 v17, v20;
	v20 =	vld [tilespmem:s20+$0x30]  }
0xd9: {  	v2 =	vadd.f32 v11, v2;
	v21 =	vnsel vm0, $0x0, v22;
	v11 =	vmul.f32 v13, v12;
	v13 =	vld [tilespmem:s20+$0x0]  }
0xda: {  	v15 =	vmul.f32 v24, v15;
	v19 =	vmul.f32 v19, v21;
	v4 =	vadd.f32 v17, v4;
	v17 =	vld [tilespmem:s20+$0xFFFFFFF0]  }
0xdb: {  	vm0 =	vlt.f32 v23, $1.000000000e+00;
	v3 =	vadd.f32 v12, v3;
	v12 =	vld [tilespmem:s20+$0xFFFFFFD0]  }
0xdc: {  	v15 =	vsel vm0, v15, v25;
	v2 =	vadd.f32 v19, v2;
	v19 =	vld [tilespmem:s31+$0xFFFFFFF0]  }
0xdd: {  	v7 =	vmul.f32 v16, v7;
	v9 =	vmul.f32 v15, v9;
	v4 =	vadd.f32 v11, v4;
	v11 =	vld [tilespmem:s31+$0x10]  }
0xde: {  	v15 =	vtrunc.f32 v27;
	v16 =	vtrunc.f32 v18  }
0xdf: {  	v0 =	vadd.f32 v9, v0;
	v8 =	vtrunc.f32 v8;
	v20 =	vtrunc.f32 v20  }
0xe0: {  	v9 =	vadd.f32 v7, v10;
	v7 =	vtrunc.f32 v13;
	v10 =	vtrunc.f32 v17  }
0xe1: {  	v12 =	vtrunc.f32 v12;
	v19 =	vtrunc.f32 v19  }
0xe2: {  	v11 =	vtrunc.f32 v11;
	v8 =	vcvt.f32.s32 v8  }
0xe3: {  	v0 =	vadd.f32 v14, v0;
	v22 =	vld [tilespmem:s31+$0xFFFFFFD0];
	v14 =	vcvt.f32.s32 v16;
	v15 =	vcvt.f32.s32 v15  }
0xe4: {  	v18 =	vld [tilespmem:s31+$0x30];
	v16 =	vcvt.f32.s32 v20;
	v19 =	vcvt.f32.s32 v19  }
0xe5: {  	v1 =	vadd.f32 v21, v1;
	v13 =	vld [tilespmem:s20+$0x10];
	v10 =	vcvt.f32.s32 v10;
	v11 =	vcvt.f32.s32 v11  }
0xe6: {  	v17 =	vld [tilespmem:s31+$0x0];
	v12 =	vcvt.f32.s32 v12;
	v7 =	vcvt.f32.s32 v7;
	vm1 =	vlt.u32 v8, $0x30  }
0xe7: {  	v20 =	vld [tilespmem:s31+$0xFFFFFFE0];
	v21 =	vmul.u32 $0x30, v14;
	vm2 =	vlt.u32 v14, $0xC8;
	vm0 =	vlt.u32 v16, $0x30  }
0xe8: {  	vm3 =	vlt.u32 v19, $0xC8;
	v19 =	vmul.u32 $0x30, v19;
	vm4 =	vlt.u32 v10, $0x30  }
0xe9: {  	v23 =	vld [tilespmem:s20+$0xFFFFFFC0];
	v25 =	vmul.u32 $0x30, v11;
	vm6 =	vlt.u32 v12, $0x30;
	vm10 =	vlt.u32 v15, $0x30  }
0xea: {  	vm5 =	vmand vm3, vm4;
	v18 =	vtrunc.f32 v18;
	v13 =	vtrunc.f32 v13  }
0xeb: {  	v8 =	vadd.s32 v8, v21;
	v17 =	vtrunc.f32 v17;
	v21 =	vtrunc.f32 v22  }
0xec: {  	vm8 =	vmand vm2, vm1;
	v18 =	vcvt.f32.s32 v18;
	v20 =	vtrunc.f32 v20  }
0xed: {  	s19 =	simm.s32 $0xBBC0;
	v19 =	vadd.s32 v10, v19;
	v21 =	vcvt.f32.s32 v21;
	v10 =	vcvt.f32.s32 v13  }
0xee: {  	v24 =	vld [tilespmem:s19+$0x20];
	v19 =	vmin.u32 v19, $0x257F;
	v13 =	vtrunc.f32 v23;
	v20 =	vcvt.f32.s32 v20  }
0xef: {  	v28 =	vld [tilespmem:s19+$0x10];
	v8 =	vmin.u32 v8, $0x257F;
	v14 =	vmul.u32 $0x30, v18;
	v23 =	vmul.u32 $0x30, v21  }
0xf0: {  	v27 =	vld [tilespmem:s19+$0xFFFFFFF0];
	v25 =	vadd.s32 v10, v25;
	v22 =	vmul.u32 $0x30, v20;
	vm9 =	vlt.u32 v20, $0xC8  }
0xf1: {  	v20 =	vmin.u32 v25, $0x257F;
	v14 =	vadd.s32 v16, v14;
	v16 =	vld [tilespmem:s31+$0xFFFFFFC0];
	v23 =	vadd.s32 v12, v23  }
0xf2: {  	v17 =	vcvt.f32.s32 v17;
	v12 =	vld [tilespmem:s19+$0xFFFFFFE0];
	v22 =	vadd.s32 v15, v22;
	v23 =	vmin.u32 v23, $0x257F  }
0xf3: {  	vm1 =	vlt.u32 v7, $0x30;
	vm2 =	vlt.u32 v11, $0xC8;
	v26 =	vld.idx.msk [tilespmem:v19+s21+$0x0], $0xffff;
	v22 =	vmin.u32 v22, $0x257F  }
0xf4: {  	v13 =	vcvt.f32.s32 v13;
	v29 =	vmul.u32 $0x30, v17;
	vm3 =	vlt.u32 v10, $0x30;
	v19 =	vld.idx.msk [tilespmem:v19+s22+$0x0], $0xffff  }
0xf5: {  	vm13 =	vlt.u32 v18, $0xC8;
	vm14 =	vlt.u32 v21, $0xC8;
	vm15 =	vlt.u32 v17, $0xC8;
	v10 =	vld.idx.msk [tilespmem:v8+s22+$0x0], $0xffff  }
0xf6: {  	vm7 =	vlt.u32 v13, $0x30;
	vm0 =	vmand vm13, vm0;
	v11 =	vld.idx.msk [tilespmem:v20+s21+$0x0], $0xffff;
	v16 =	vtrunc.f32 v16  }
0xf7: {  	vm1 =	vmand vm15, vm1;
	v29 =	vadd.s32 v7, v29;
	v16 =	vcvt.f32.s32 v16;
	v21 =	vld.idx.msk [tilespmem:v23+s22+$0x0], $0xffff  }
0xf8: {  	vm2 =	vmand vm2, vm3;
	vm9 =	vmand vm9, vm10;
	v29 =	vmin.u32 v29, $0x257F;
	v7 =	vld.idx.msk [tilespmem:v22+s22+$0x0], $0xffff  }
0xf9: {  	v25 =	vmul.u32 $0x30, v16;
	vm12 =	vlt.u32 v16, $0xC8;
	v16 =	vld.idx.msk [tilespmem:v22+s21+$0x0], $0xffff;
	v22 =	vsub.f32 v26, v27  }
0xfa: {  	v26 =	vmin.u32 v14, $0x257F;
	v27 =	vld.idx.msk [tilespmem:v8+s21+$0x0], $0xffff;
	v8 =	vnsel vm5, $0x0, v19;
	vm5 =	vmand vm14, vm6  }
0xfb: {  	v11 =	vsub.f32 v11, v28;
	v14 =	vand.u32 $0x7FFFFFFF, v22;
	v15 =	vmul.f32 $5.000000000e-01, v22  }
0xfc: {  	vm4 =	vmand vm12, vm7;
	v13 =	vadd.s32 v13, v25;
	v25 =	vadd.f32 $-5.000000000e-01, v14  }
0xfd: {  	v18 =	vld [tilespmem:s19+$0x0];
	vm11 =	vlt.f32 v14, $1.000000000e+00;
	v13 =	vmin.u32 v13, $0x257F;
	v14 =	vmul.f32 v15, v22  }
0xfe: {  	v15 =	vld.idx.msk [tilespmem:v29+s21+$0x0], $0xffff;
	v19 =	vnsel vm9, $0x0, v7;
	v7 =	vnsel vm8, $0x0, v10;
	v12 =	vsub.f32 v16, v12  }
0xff: {  	v10 =	vnsel vm5, $0x0, v21;
	v6 =	vadd.f32 v19, v6;
	v16 =	vld.idx.msk [tilespmem:v26+s21+$0x0], $0xffff;
	v17 =	vsub.f32 v27, v24  }
0x100: {  	v24 =	vld [tilespmem:s19+$0x30];
	v27 =	vmul.f32 $5.000000000e-01, v11;
	v5 =	vadd.f32 v10, v5;
	v14 =	vsel vm11, v14, v25  }
0x101: {  	v32 =	vld [tilespmem:s19+$0xFFFFFFD0];
	v25 =	vand.u32 $0x7FFFFFFF, v11;
	v22 =	vmul.f32 $5.000000000e-01, v12;
	v30 =	vand.u32 $0x7FFFFFFF, v12  }
0x102: {  	v21 =	vmul.f32 v27, v11;
	v11 =	vmul.f32 v14, v8;
	v14 =	vadd.f32 $-5.000000000e-01, v25;
	v63 =	vld.idx.msk [tilespmem:v13+s21+$0x0], $0xffff  }
0x103: {  	vm12 =	vlt.f32 v25, $1.000000000e+00;
	v25 =	vmul.f32 $5.000000000e-01, v17;
	v15 =	vsub.f32 v15, v18;
	v18 =	vld [tilespmem:s19+$0xFFFFFFC0]  }
0x104: {  	vm14 =	vlt.f32 v30, $1.000000000e+00;
	v12 =	vmul.f32 v22, v12;
	v22 =	vld.idx.msk [tilespmem:v23+s21+$0x0], $0xffff;
	v23 =	vadd.f32 $-5.000000000e-01, v30  }
0x105: {  	v14 =	vsel vm12, v21, v14;
	v16 =	vsub.f32 v16, v24;
	v24 =	vand.u32 $0x7FFFFFFF, v17  }
0x106: {  	v20 =	vld.idx.msk [tilespmem:v20+s22+$0x0], $0xffff;
	v27 =	vand.u32 $0x7FFFFFFF, v15;
	v31 =	vmul.f32 $5.000000000e-01, v15;
	v12 =	vsel vm14, v12, v23  }
0x107: {  	vm15 =	vlt.f32 v24, $1.000000000e+00;
	v33 =	vadd.f32 $-5.000000000e-01, v27;
	v12 =	vmul.f32 v12, v19  }
0x108: {  	vm13 =	vlt.f32 v27, $1.000000000e+00;
	v21 =	vmul.f32 v31, v15;
	v18 =	vsub.f32 v63, v18  }
0x109: {  	v15 =	vsub.f32 v22, v32;
	v9 =	vadd.f32 v12, v9;
	v12 =	vmul.f32 $5.000000000e-01, v16  }
0x10a: {  	v19 =	vld.idx.msk [tilespmem:v13+s22+$0x0], $0xffff;
	v22 =	vmul.f32 v25, v17;
	v13 =	vsel vm13, v21, v33;
	v23 =	vmul.f32 $5.000000000e-01, v18  }
0x10b: {  	v21 =	vnsel vm2, $0x0, v20;
	v20 =	vadd.f32 $-5.000000000e-01, v24;
	v25 =	vmul.f32 v12, v16;
	v12 =	vld.idx.msk [tilespmem:v29+s22+$0x0], $0xffff  }
0x10c: {  	v17 =	vand.u32 $0x7FFFFFFF, v18;
	v18 =	vmul.f32 v23, v18;
	v23 =	vand.u32 $0x7FFFFFFF, v16  }
0x10d: {  	v6 =	vadd.f32 v7, v6;
	v16 =	vsel vm15, v22, v20;
	v22 =	vld.idx.msk [tilespmem:v26+s22+$0x0], $0xffff;
	v27 =	vadd.f32 $-5.000000000e-01, v23  }
0x10e: {  	v5 =	vadd.f32 v21, v5;
	v24 =	vmul.f32 $5.000000000e-01, v15;
	vm2 =	vlt.f32 v23, $1.000000000e+00  }
0x10f: {  	s29 =	simm.s32 $0x2640;
	s8 =	simm.s32 $0x7140;
	s20 =	simm.s32 $0x0;
	v19 =	vnsel vm4, $0x0, v19;
	v23 =	vand.u32 $0x7FFFFFFF, v15;
	v20 =	vsel vm2, v25, v27  }
.LBB2_5:
0x110: {  	v25 =	vld [tilespmem:s8+$0xFFFFFFE0];
	s20 =	sadd.s32 $0x2, s20;
	v26 =	vadd.f32 $-5.000000000e-01, v23;
	v12 =	vnsel vm1, $0x0, v12;
	v14 =	vmul.f32 v14, v21;
	s19 =	sadd.s32 $0x80, s19  }
0x111: {  	vm1 =	vlt.f32 v17, $1.000000000e+00;
	v17 =	vadd.f32 $-5.000000000e-01, v17;
	v1 =	vadd.f32 v8, v1;
	v21 =	vld [tilespmem:s8+$0x20];
	p0 =	slt.u32 s20, $0x94  }
0x112: {  	v3 =	vadd.f32 v19, v3;
	v15 =	vmul.f32 v24, v15;
	v22 =	vnsel vm0, $0x0, v22;
	v8 =	vld [tilespmem:s29+$0x20]  }
0x113: {  	vm0 =	vlt.f32 v23, $1.000000000e+00;
	v17 =	vsel vm1, v18, v17;
	v1 =	vadd.f32 v22, v1;
	v24 =	vld [tilespmem:s8+$0x30]  }
0x114: {  	v2 =	vadd.f32 v11, v2;
	v11 =	vmul.f32 v13, v12;
	v17 =	vmul.f32 v17, v19;
	v18 =	vld [tilespmem:s8+$0x0]  }
0x115: {  	v20 =	vmul.f32 v20, v22;
	v15 =	vsel vm0, v15, v26;
	v13 =	vtrunc.f32 v25;
	v19 =	vld [tilespmem:s8+$0xFFFFFFF0]  }
0x116: {  	v3 =	vadd.f32 v12, v3;
	v10 =	vmul.f32 v15, v10;
	v4 =	vadd.f32 v17, v4;
	v22 =	vld [tilespmem:s8+$0xFFFFFFD0]  }
0x117: {  	v7 =	vmul.f32 v16, v7;
	v2 =	vadd.f32 v20, v2;
	v8 =	vtrunc.f32 v8;
	v12 =	vld [tilespmem:s29+$0x30]  }
0x118: {  	v16 =	vtrunc.f32 v21;
	v0 =	vadd.f32 v10, v0;
	v15 =	vld [tilespmem:s29+$0xFFFFFFF0];
	v17 =	vtrunc.f32 v24  }
0x119: {  	v9 =	vadd.f32 v7, v9;
	v16 =	vcvt.f32.s32 v16;
	v10 =	vtrunc.f32 v18;
	v18 =	vld [tilespmem:s29+$0x10]  }
0x11a: {  	v8 =	vcvt.f32.s32 v8;
	v0 =	vadd.f32 v14, v0;
	v7 =	vtrunc.f32 v19;
	v19 =	vld [tilespmem:s8+$0x10]  }
0x11b: {  	v13 =	vcvt.f32.s32 v13;
	v4 =	vadd.f32 v11, v4;
	v17 =	vcvt.f32.s32 v17;
	v14 =	vld [tilespmem:s29+$0x0]  }
0x11c: {  	vm1 =	vlt.u32 v16, $0x30;
	v11 =	vtrunc.f32 v22;
	v20 =	vld [tilespmem:s29+$0xFFFFFFE0];
	v12 =	vtrunc.f32 v12  }
0x11d: {  	v22 =	vmul.u32 $0x30, v8;
	v21 =	vld [tilespmem:s29+$0xFFFFFFD0];
	v15 =	vtrunc.f32 v15;
	v12 =	vcvt.f32.s32 v12  }
0x11e: {  	vm2 =	vlt.u32 v8, $0xC8;
	v7 =	vcvt.f32.s32 v7;
	v23 =	vld [tilespmem:s29+$0xFFFFFFC0];
	v15 =	vcvt.f32.s32 v15  }
0x11f: {  	vm0 =	vlt.u32 v17, $0x30;
	v8 =	vtrunc.f32 v19;
	v19 =	vmul.u32 $0x30, v12  }
0x120: {  	v16 =	vadd.s32 v16, v22;
	v24 =	vld [tilespmem:s8+$0xFFFFFFC0];
	vm3 =	vlt.u32 v15, $0xC8;
	v15 =	vmul.u32 $0x30, v15  }
0x121: {  	v18 =	vtrunc.f32 v18;
	v14 =	vtrunc.f32 v14;
	v17 =	vadd.s32 v17, v19  }
0x122: {  	v19 =	vtrunc.f32 v20;
	v14 =	vcvt.f32.s32 v14;
	v15 =	vadd.s32 v7, v15  }
0x123: {  	v20 =	vtrunc.f32 v21;
	v19 =	vcvt.f32.s32 v19;
	v15 =	vmin.u32 v15, $0x257F  }
0x124: {  	vm4 =	vlt.u32 v7, $0x30;
	v7 =	vcvt.f32.s32 v8;
	v20 =	vcvt.f32.s32 v20  }
0x125: {  	v11 =	vcvt.f32.s32 v11;
	v21 =	vmul.u32 $0x30, v19;
	v8 =	vtrunc.f32 v24;
	v22 =	vld [tilespmem:s19+$0x20]  }
0x126: {  	v18 =	vcvt.f32.s32 v18;
	vm6 =	vmand vm3, vm4;
	v24 =	vmul.u32 $0x30, v20  }
0x127: {  	v23 =	vtrunc.f32 v23;
	v8 =	vcvt.f32.s32 v8;
	v21 =	vadd.s32 v13, v21;
	v25 =	vld [tilespmem:s19+$0x0]  }
0x128: {  	v27 =	vmul.u32 $0x30, v18;
	v24 =	vadd.s32 v11, v24;
	v21 =	vmin.u32 v21, $0x257F;
	v26 =	vld [tilespmem:s19+$0x10]  }
0x129: {  	v23 =	vcvt.f32.s32 v23;
	vm9 =	vlt.u32 v19, $0xC8;
	v24 =	vmin.u32 v24, $0x257F;
	v19 =	vld.idx.msk [tilespmem:v15+s21+$0x0], $0xffff  }
0x12a: {  	vm5 =	vlt.u32 v11, $0x30;
	v16 =	vmin.u32 v16, $0x257F;
	v27 =	vadd.s32 v7, v27;
	v11 =	vld [tilespmem:s19+$0xFFFFFFF0]  }
0x12b: {  	v10 =	vcvt.f32.s32 v10;
	v29 =	vmul.u32 $0x30, v14;
	v27 =	vmin.u32 v27, $0x257F;
	v28 =	vld [tilespmem:s19+$0xFFFFFFE0]  }
0x12c: {  	vm8 =	vmand vm2, vm1;
	v30 =	vmul.u32 $0x30, v23;
	v15 =	vld.idx.msk [tilespmem:v15+s22+$0x0], $0xffff  }
0x12d: {  	vm1 =	vlt.u32 v10, $0x30;
	v10 =	vadd.s32 v10, v29;
	vm4 =	vlt.u32 v23, $0xC8;
	v23 =	vld.idx.msk [tilespmem:v21+s21+$0x0], $0xffff  }
0x12e: {  	v10 =	vmin.u32 v10, $0x257F;
	v21 =	vld.idx.msk [tilespmem:v21+s22+$0x0], $0xffff  }
0x12f: {  	vm2 =	vlt.u32 v18, $0xC8;
	vm3 =	vlt.u32 v7, $0x30;
	v11 =	vsub.f32 v19, v11;
	v7 =	vld.idx.msk [tilespmem:v16+s22+$0x0], $0xffff  }
0x130: {  	vm10 =	vlt.u32 v13, $0x30;
	vm7 =	vlt.u32 v8, $0x30;
	v19 =	vmin.u32 v17, $0x257F;
	v13 =	vld.idx.msk [tilespmem:v27+s21+$0x0], $0xffff  }
0x131: {  	vm9 =	vmand vm9, vm10;
	v17 =	vand.u32 $0x7FFFFFFF, v11;
	v18 =	vmul.f32 $5.000000000e-01, v11;
	v16 =	vld.idx.msk [tilespmem:v16+s21+$0x0], $0xffff  }
0x132: {  	vm10 =	vlt.u32 v12, $0xC8;
	v29 =	vadd.s32 v8, v30;
	v30 =	vld.idx.msk [tilespmem:v24+s22+$0x0], $0xffff;
	v31 =	vadd.f32 $-5.000000000e-01, v17  }
0x133: {  	v8 =	vnsel vm6, $0x0, v15;
	vm11 =	vlt.f32 v17, $1.000000000e+00;
	v11 =	vmul.f32 v18, v11;
	v15 =	vld.idx.msk [tilespmem:v10+s21+$0x0], $0xffff  }
0x134: {  	vm6 =	vlt.u32 v20, $0xC8;
	v17 =	vmin.u32 v29, $0x257F;
	v18 =	vnsel vm9, $0x0, v21;
	v12 =	vld.idx.msk [tilespmem:v10+s22+$0x0], $0xffff  }
0x135: {  	vm0 =	vmand vm10, vm0;
	v20 =	vsub.f32 v23, v28;
	v11 =	vsel vm11, v11, v31  }
0x136: {  	v6 =	vadd.f32 v18, v6;
	v7 =	vnsel vm8, $0x0, v7;
	v13 =	vsub.f32 v13, v26;
	v21 =	vld.idx.msk [tilespmem:v19+s21+$0x0], $0xffff  }
0x137: {  	v23 =	vmul.f32 $5.000000000e-01, v20;
	vm8 =	vlt.u32 v14, $0xC8;
	v16 =	vsub.f32 v16, v22;
	v22 =	vld [tilespmem:s19+$0x30]  }
0x138: {  	vm5 =	vmand vm6, vm5;
	v14 =	vand.u32 $0x7FFFFFFF, v13;
	v26 =	vmul.f32 $5.000000000e-01, v13;
	v24 =	vld.idx.msk [tilespmem:v24+s21+$0x0], $0xffff  }
0x139: {  	v29 =	vand.u32 $0x7FFFFFFF, v20;
	vm1 =	vmand vm8, vm1;
	v15 =	vsub.f32 v15, v25;
	v28 =	vld.idx.msk [tilespmem:v17+s21+$0x0], $0xffff  }
0x13a: {  	v20 =	vmul.f32 v23, v20;
	v10 =	vnsel vm5, $0x0, v30;
	v13 =	vmul.f32 v26, v13;
	v25 =	vld [tilespmem:s19+$0xFFFFFFC0]  }
0x13b: {  	v23 =	vadd.f32 $-5.000000000e-01, v29;
	v26 =	vand.u32 $0x7FFFFFFF, v15;
	v30 =	vmul.f32 $5.000000000e-01, v15  }
0x13c: {  	vm4 =	vmand vm4, vm7;
	v11 =	vmul.f32 v11, v8;
	v32 =	vadd.f32 $-5.000000000e-01, v14;
	v31 =	vld [tilespmem:s19+$0xFFFFFFD0]  }
0x13d: {  	vm5 =	vlt.f32 v14, $1.000000000e+00;
	v34 =	vmul.f32 $5.000000000e-01, v16;
	v33 =	vadd.f32 $-5.000000000e-01, v26;
	v27 =	vld.idx.msk [tilespmem:v27+s22+$0x0], $0xffff  }
0x13e: {  	vm6 =	vlt.f32 v26, $1.000000000e+00;
	v14 =	vsel vm5, v13, v32;
	v26 =	vsub.f32 v21, v22  }
0x13f: {  	vm5 =	vlt.f32 v29, $1.000000000e+00;
	v22 =	vsub.f32 v28, v25;
	v25 =	vand.u32 $0x7FFFFFFF, v16  }
0x140: {  	v13 =	vsel vm5, v20, v23;
	v20 =	vmul.f32 v30, v15;
	vm5 =	vlt.f32 v25, $1.000000000e+00  }
0x141: {  	vm2 =	vmand vm2, vm3;
	v18 =	vmul.f32 v13, v18;
	v23 =	vld.idx.msk [tilespmem:v17+s22+$0x0], $0xffff;
	v15 =	vsub.f32 v24, v31  }
0x142: {  	v6 =	vadd.f32 v7, v6;
	v13 =	vsel vm6, v20, v33;
	v16 =	vmul.f32 v34, v16  }
0x143: {  	v17 =	vand.u32 $0x7FFFFFFF, v22;
	v20 =	vmul.f32 $5.000000000e-01, v22;
	v21 =	vnsel vm2, $0x0, v27  }
.Ltmp1:
0x144: {  	v5 =	vadd.f32 v10, v5;
	v9 =	vadd.f32 v18, v9;
	v24 =	vmul.f32 $5.000000000e-01, v26;
	(pc) =	sbr.rel @p0 .LBB2_5-.Ltmp1, $4  }
0x145: {  	v18 =	vmul.f32 v20, v22;
	v20 =	vadd.f32 $-5.000000000e-01, v25;
	v25 =	vand.u32 $0x7FFFFFFF, v26;
	v22 =	vld.idx.msk [tilespmem:v19+s22+$0x0], $0xffff  }
0x146: {  	v5 =	vadd.f32 v21, v5;
	v26 =	vmul.f32 v24, v26;
	v27 =	vadd.f32 $-5.000000000e-01, v25  }
0x147: {  	vm2 =	vlt.f32 v25, $1.000000000e+00;
	v16 =	vsel vm5, v16, v20;
	v19 =	vnsel vm4, $0x0, v23  }
0x148: {  	s29 =	sadd.s32 $0x80, s29;
	s8 =	sadd.s32 $0x80, s8;
	v24 =	vmul.f32 $5.000000000e-01, v15;
	v23 =	vand.u32 $0x7FFFFFFF, v15;
	v20 =	vsel vm2, v26, v27  }
0x149: {  	v25 =	vadd.f32 $-5.000000000e-01, v23  }
0x14a: {  	v12 =	vnsel vm1, $0x0, v12;
	v14 =	vmul.f32 v14, v21;
	v61 =	vadd.f32 $-5.000000000e-01, v17  }
0x14b: {  	vm14 =	vlt.f32 v17, $1.000000000e+00;
	v1 =	vadd.f32 v8, v1;
	v8 =	vmul.f32 v24, v15  }
0x14c: {  	v3 =	vadd.f32 v19, v3;
	vm15 =	vlt.f32 v23, $1.000000000e+00;
	v2 =	vadd.f32 v11, v2;
	s1 =	sadd.s32 $0x1, s1  }
0x14d: {  	v7 =	vmul.f32 v16, v7;
	p0 =	sne.s32 s1, $0x10;
	v62 =	vsel vm14, v18, v61;
	v8 =	vsel vm15, v8, v25  }
.Ltmp2:
0x14e: {  	v63 =	vnsel vm0, $0x0, v22;
	v15 =	vmul.f32 v62, v19;
	v8 =	vmul.f32 v8, v10;
	(pc) =	sbr.rel @p0 .LBB2_2-.Ltmp2, $4  }
0x14f: {  	v1 =	vadd.f32 v63, v1;
	v3 =	vadd.f32 v12, v3;
	v10 =	vmul.f32 v20, v63  }
0x150: {  	v11 =	vmul.f32 v13, v12;
	v4 =	vadd.f32 v15, v4;
	v0 =	vadd.f32 v8, v0  }
0x151: {  	v2 =	vadd.f32 v10, v2;
	v10 =	vadd.f32 v7, v9  }
0x152: {  	v4 =	vadd.f32 v11, v4;
	v0 =	vadd.f32 v14, v0  }
0x153: {  	v3 =	vadd.f32 v5, v3;
	v1 =	vadd.f32 v1, v6  }
0x154: {  	v2 =	vadd.f32 v2, v10;
	v0 =	vadd.f32 v0, v4  }
0x155: {  	v1 =	vadd.f32 v1, v3  }
0x156: {  	v0 =	vadd.f32 v2, v0  }
0x157: {  	[tilespmem:$0x17780] =	vst v1  }
0x158: {  	s1 =	simm.s32 $0x17700;
	[tilespmem:$0x17700] =	vst v0  }
0x159: {  	[hbm4b:s12+s2] =	stream.linear.scatter [tilespmem:s1], [sflag:$0x3], $0x80, $0x38;
	[tilespmem:$0x17800] =	vst v63  }
0x15a: {  	s0 =	sadd.s32 $0x1, s0;
	_ =	swait.ge [sflag:s30], $0x80  }
0x15b: {  	p0 =	sne.s32 s0, s14;
	[sflag:s30] =	ssyncset.done $0x0  }
.Ltmp3:
0x15c: {  	s31 =	simm.s32 $0x17780;
	[sflag:s30] =	ssyncadd.s32 $0xFFFFFF80;
	(pc) =	sbr.rel @p0 .LBB2_1-.Ltmp3, $4  }
0x15d: {  	[hbm4b:s13+s2] =	stream.linear.scatter [tilespmem:s31], [sflag:$0x3], $0x80, $0x38;
	[tilespmem:$0x17800] =	vst v63  }
0x15e: {  	_ =	swait.ge [sflag:s30], $0x80  }
0x15f: {  	[sflag:s30] =	ssyncset.done $0x0  }
0x160: {  	[sflag:s30] =	ssyncadd.s32 $0xFFFFFF80  }
0x161: {  	_ =	sfence.sel $0x180000  }
0x162: {  	[bflag:$0x0] =	sbarrier.arrive $0xFFFF  }
0x163: {  	_ =	strace $0x90000047  }
0x164: {  	s0 =	stileid.u32;
	[bflag:$0x2] =	sbarrier.arrive $0xFFFF  }
0x165: {  	p0 =	sne.s32 s0, $0x0;
	s0 =	rddreg [dreg:$0x1]  }
0x166: {  	s0 =	sadd.s32 @!p0 $0x100000, s0  }
0x167: {  	[sflag:s0] =	ssyncadd.tile.s32 @!p0 $0x1;
	_ =	shalt  }
.Lfunc_end2:
_tile_overlayer_lowered:
.L_overlay_start_2:
0x168: {  	(tag) =	ssettag $0x2  }
0x169: {  	s0 =	rddreg [dreg:$0x0];
	s2 =	stileid.u32  }
0x16a: {  	s1 =	rddreg [dreg:$0x1];
	p0 =	sne.s32 s2, $0x0  }
0x16b: {  	s3 =	rddreg [dreg:$0x2];
	[bflag:$0x3] =	sbarrier.arrive $0xFFFF;
	s2 =	simm.s32 @!p0 $0x1C03  }
0x16c: {  	[timem:s3], [sflag:s2] =	dma.local @!p0 [hbm:s0], s1  }
0x16d: {  	s0 =	simm.s32 @!p0 $0x3  }
0x16e: {  	_ =	swait.ge @!p0 [sflag:s0], s1  }
0x16f: {  	s1 =	ssub.s32 @!p0 $0x0, s1;
	[sflag:s0] =	ssyncset.done @!p0 $0x0  }
0x170: {  	[sflag:s0] =	ssyncadd.s32 @!p0 s1  }
0x171: {  	[bflag:$0x3] =	sbarrier.arrive $0xFFFF  }
0x172: {  	_ =	shalt  }

</sc_bundles>
